<compile_context>
chip_gen: v7x
topology: tpu7x:2x2x1
jax: 0.10.2.dev20260603
libtpu: 0.0.44.dev20260713+nightly
codegen_flags: <defaults>
</compile_context>

<pallas_src>
import functools

import jax
import jax.numpy as jnp
from jax import lax
from jax.experimental import pallas as pl
from jax.experimental.pallas import tpu as pltpu
from jax.experimental.pallas import tpu_sc as plsc

N_FRAMES = 4096
K_TAB = 16
D_ROW = 18 * 512
REPLICAS = 8


import numpy as np

_I32_MIN = np.int32(-2147483648)
_RANKS = (1023, 1024, 3071, 3072)


def _key_to_float(v):
  b = jnp.where(v >= 0, v, _I32_MIN - v)
  return lax.bitcast_convert_type(b, jnp.float32)


def _index_kernel(pitch_ref, idx_ref):
  x = pitch_ref[...]
  b = lax.bitcast_convert_type(x, jnp.int32)
  k = jnp.where(b >= 0, b, _I32_MIN - b)

  stats = []
  for r in _RANKS:
    r = jnp.int32(r)
    cnt0 = jnp.sum((k < 0).astype(jnp.int32))
    ans = jnp.where(cnt0 <= r, jnp.int32(0), _I32_MIN)
    for bit in range(30, -1, -1):
      t = ans + jnp.int32(1 << bit)
      cnt = jnp.sum((k < t).astype(jnp.int32))
      ans = jnp.where(cnt <= r, t, ans)
    stats.append(_key_to_float(ans))
  s1023, s1024, s3071, s3072 = stats

  low = s1023 * jnp.float32(0.25) + s1024 * jnp.float32(0.75)
  high = s3071 * jnp.float32(0.75) + s3072 * jnp.float32(0.25)

  pt = x - low
  pt = pt / high
  pt = pt * jnp.float32(16.0)
  m = pt - jnp.float32(16.0) * jnp.floor(pt * jnp.float32(0.0625))
  idx = jnp.round(m).astype(jnp.int32) % K_TAB
  rep = lax.broadcasted_iota(jnp.int32, (32, 128), 0) % REPLICAS
  idx_ref[...] = idx + rep * K_TAB


def _compute_indices(pitch_track):
  pitch2d = pitch_track.reshape(32, 128)
  idx2d = pl.pallas_call(
      _index_kernel,
      out_shape=jax.ShapeDtypeStruct((32, 128), jnp.int32),
  )(pitch2d)
  return idx2d.reshape(-1)



NC, NS = 2, 16
NW = NC * NS
FRAMES_PER_W = N_FRAMES // NW
CHUNK = 4
NCHUNK = FRAMES_PER_W // CHUNK
NBUF = 2


S_GROUPS = 1
G_FRAMES = N_FRAMES // S_GROUPS
G_PER_W = G_FRAMES // NW
G_NCHUNK = G_PER_W // CHUNK


def _make_gather():
  mesh = plsc.VectorSubcoreMesh(core_axis_name="c", subcore_axis_name="s")

  @functools.partial(
      pl.kernel,
      out_type=jax.ShapeDtypeStruct((G_FRAMES, 24, 512), jnp.float32),
      name="sc_table_gather",
      mesh=mesh,
      compiler_params=pltpu.CompilerParams(use_tc_tiling_on_sc=True),
      scratch_types=(
          [pltpu.VMEM((G_NCHUNK, CHUNK), jnp.int32)]
          + [pltpu.VMEM((CHUNK, 24, 512), jnp.float32)] * NBUF
          + [pltpu.SemaphoreType.DMA] * NBUF
      ),
  )
  def gather_k(table_hbm, idx_hbm, out_hbm, idx_v, *rest):
    bufs, gsems = rest[:NBUF], rest[NBUF:]
    wid = lax.axis_index("s") * NC + lax.axis_index("c")
    base = wid * G_PER_W
    pltpu.sync_copy(idx_hbm.at[pl.ds(wid * G_NCHUNK, G_NCHUNK)], idx_v)

    def g_copy(g, b):
      return pltpu.make_async_copy(table_hbm.at[idx_v.at[g]], bufs[b], gsems[b])

    def put_out(g, b):
      pltpu.sync_copy(bufs[b], out_hbm.at[pl.ds(base + g * CHUNK, CHUNK)])

    for b in range(NBUF):
      g_copy(b, b).start()

    @pl.loop(0, G_NCHUNK - NBUF, step=NBUF)
    def _main(g0):
      for b in range(NBUF):
        g = g0 + b
        g_copy(g, b).wait()
        put_out(g, b)
        g_copy(g + NBUF, b).start()

    for b in range(NBUF):
      g = G_NCHUNK - NBUF + b
      g_copy(g, b).wait()
      put_out(g, b)

  return gather_k


_FB = 64


def _compact_first(part_ref, out_ref):
  out_ref[...] = part_ref[:, :18, :]


def _compact_next(prev_ref, part_ref, out_ref):
  out_ref[...] = part_ref[:, :18, :]


def _compact(part, prev, group):
  out_shape = jax.ShapeDtypeStruct((N_FRAMES, 18, 512), jnp.float32)
  row_blk = group * (G_FRAMES // _FB)
  out_spec = pl.BlockSpec((_FB, 18, 512), lambda i: (i + row_blk, 0, 0))
  part_spec = pl.BlockSpec((_FB, 24, 512), lambda i: (i, 0, 0))
  if prev is None:
    return pl.pallas_call(
        _compact_first,
        grid=(G_FRAMES // _FB,),
        in_specs=[part_spec],
        out_specs=out_spec,
        out_shape=out_shape,
    )(part)
  return pl.pallas_call(
      _compact_next,
      grid=(G_FRAMES // _FB,),
      in_specs=[pl.BlockSpec(memory_space=pl.ANY), part_spec],
      out_specs=out_spec,
      out_shape=out_shape,
      input_output_aliases={0: 0},
  )(prev, part)


_gather_cache = []


def kernel(pitch_track, latent_selection):
  if not _gather_cache:
    _gather_cache.append(_make_gather())
  gather_k = _gather_cache[0]
  idx = _compute_indices(pitch_track)
  table_p = jnp.pad(latent_selection, ((0, 0), (0, 6), (0, 0)))
  table_p = jnp.tile(table_p, (REPLICAS, 1, 1))
  if S_GROUPS == 1:
    out_p = gather_k(table_p, idx.reshape(-1, CHUNK))
    return out_p[:, :18, :]
  out = None
  for s in range(S_GROUPS):
    idx_g = idx[s * G_FRAMES:(s + 1) * G_FRAMES].reshape(-1, CHUNK)
    part = gather_k(table_p, idx_g)
    out = _compact(part, out, s)
  return out

# --- scband reference (transcript-rebuilt; emitter-appended) ---
"""Pipeline reference for scband-pitch-track-latents-68925635166941 (READ-ONLY COPY).

The authoritative reference and input builder live on the scoring server;
editing this copy changes nothing except your own understanding.
"""

import jax, jax.numpy as jnp
import numpy as np

N_FRAMES = 4096
N_LATENTS = 16
N_LAYERS = 18
D_LATENT = 512


def setup_inputs(seed: int = 0) -> dict:
    key = jax.random.key(seed)
    k1, k2 = jax.random.split(key)
    # pitch in Hz-like range so the percentile normalization is meaningful
    pitch_track = jax.random.uniform(k1, (N_FRAMES,), dtype=jnp.float32) * 800.0 + 50.0
    latent_selection = jax.random.normal(k2, (N_LATENTS, N_LAYERS, D_LATENT), dtype=jnp.float32)
    return {"pitch_track": pitch_track, "latent_selection": latent_selection}


def reference(pitch_track, latent_selection):
    # __init__ preprocessing: percentile-normalize pitch, scale to table size, wrap
    K = latent_selection.shape[0]
    low = jnp.percentile(pitch_track, 25)
    high = jnp.percentile(pitch_track, 75)
    pt = pitch_track - low
    pt = pt / high
    pt = pt * K
    pt = pt % K
    # forward(): latent = latent_selection[round(pitch_track[index])]
    # The torch module is stateful (self.index += 1 per call); we vectorize all
    # N_FRAMES forward calls into one gather over the whole track.
    idx = jnp.round(pt).astype(jnp.int32) % K  # extra %K guards round(15.99)->16 OOB
    latents = jnp.take(latent_selection, idx, axis=0)  # [N_FRAMES, 18, 512]
    return latents

if __name__ == "__main__":
    import jax
    _d = setup_inputs()
    print(jax.jit(kernel)(*tuple(_d.values())))

</pallas_src>

<mosaic_0001>
#map = affine_map<(d0, d1) -> (0, 0, 0)>
#map1 = affine_map<(d0, d1) -> (0, 0)>
module attributes {stable_mosaic.version = 14 : i64} {
  func.func @sc_table_gather(%arg0: i32, %arg1: i32, %arg2: memref<128x24x512xf32, #tpu.memory_space<hbm>>, %arg3: memref<1024x4xi32, #tpu.memory_space<hbm>>, %arg4: memref<4096x24x512xf32, #tpu.memory_space<hbm>>, %arg5: memref<32x4xi32, #tpu.memory_space<vmem>>, %arg6: memref<4x24x512xf32, #tpu.memory_space<vmem>>, %arg7: memref<4x24x512xf32, #tpu.memory_space<vmem>>, %arg8: memref<!tpu.dma_semaphore, #tpu.memory_space<semaphore_mem>>, %arg9: memref<!tpu.dma_semaphore, #tpu.memory_space<semaphore_mem>>) attributes {dimension_semantics = [#tpu.dimension_semantics<core_parallel>, #tpu.dimension_semantics<subcore_parallel>], iteration_bounds = array<i64: 2, 16>, scalar_prefetch = 0 : i64, scratch_operands = 5 : i64, tpu.core_type = #tpu.core_type<sc_vector_subcore>, window_params = [{transform_indices = #map}, {transform_indices = #map1}, {transform_indices = #map}]} {
    %mul3A = arith.constant 2 : i32
    %mul3A_0 = arith.muli %arg1, %mul3A : i32
    %add3A = arith.addi %mul3A_0, %arg0 : i32
    %mul3A_1 = arith.constant 128 : i32
    %mul3A_2 = arith.muli %add3A, %mul3A_1 : i32
    %mul3A_3 = arith.constant 32 : i32
    %mul3A_4 = arith.muli %add3A, %mul3A_3 : i32
    "tpu.region"() ({
      %run_scoped3A = tpu.sem_alloc : memref<!tpu.dma_semaphore, #tpu.memory_space<semaphore_mem>>
      %dma_start3A_43 = arith.constant 0 : i32
      %dma_start3A_44 = tpu.memref_slice %arg3[%mul3A_4, %dma_start3A_43] : memref<1024x4xi32, #tpu.memory_space<hbm>> -> memref<32x4xi32, #tpu.memory_space<hbm>>
      %dma_start3A_45 = arith.constant 0 : i32
      %dma_start3A_46 = tpu.memref_slice %arg3[%mul3A_4, %dma_start3A_45] : memref<1024x4xi32, #tpu.memory_space<hbm>> -> memref<32x4xi32, #tpu.memory_space<hbm>>
      tpu.enqueue_dma source(%dma_start3A_46 : memref<32x4xi32, #tpu.memory_space<hbm>>) target(%arg5 : memref<32x4xi32, #tpu.memory_space<vmem>>) target_semaphore(%run_scoped3A : memref<!tpu.dma_semaphore, #tpu.memory_space<semaphore_mem>>)
      %dma_wait3A_47 = arith.constant 0 : i32
      %dma_wait3A_48 = tpu.memref_slice %arg3[%mul3A_4, %dma_wait3A_47] : memref<1024x4xi32, #tpu.memory_space<hbm>> -> memref<32x4xi32, #tpu.memory_space<hbm>>
      %dma_wait3A_49 = arith.constant 0 : i32
      %dma_wait3A_50 = tpu.memref_slice %arg3[%mul3A_4, %dma_wait3A_49] : memref<1024x4xi32, #tpu.memory_space<hbm>> -> memref<32x4xi32, #tpu.memory_space<hbm>>
      tpu.wait_dma2 semaphore(%run_scoped3A : memref<!tpu.dma_semaphore, #tpu.memory_space<semaphore_mem>>) src(%dma_wait3A_50 : memref<32x4xi32, #tpu.memory_space<hbm>>) dst(%arg5 : memref<32x4xi32, #tpu.memory_space<vmem>>)
      tpu.yield
    }) : () -> ()
    %dma_start3A = arith.constant 0 : i32
    %dma_start3A_5 = arith.constant 0 : i32
    %dma_start3A_6 = tpu.memref_slice %arg5[%dma_start3A, %dma_start3A_5] : memref<32x4xi32, #tpu.memory_space<vmem>> -> memref<1x4xi32, #tpu.memory_space<vmem>>
    %dma_start3A_7 = tpu.memref_squeeze %dma_start3A_6 : memref<1x4xi32, #tpu.memory_space<vmem>> -> memref<4xi32, #tpu.memory_space<vmem>>
    %dma_start3A_8 = arith.constant 0 : i32
    %dma_start3A_9 = arith.constant 0 : i32
    %dma_start3A_10 = arith.constant 0 : i32
    %dma_start3A_11 = tpu.memref_slice %arg2[%dma_start3A_8, %dma_start3A_9, %dma_start3A_10] : memref<128x24x512xf32, #tpu.memory_space<hbm>> -> memref<128x24x512xf32, #tpu.memory_space<hbm>>
    tpu.enqueue_indirect_dma source(%dma_start3A_11 : memref<128x24x512xf32, #tpu.memory_space<hbm>>) target(%arg6 : memref<4x24x512xf32, #tpu.memory_space<vmem>>) offsets(%dma_start3A_7 : memref<4xi32, #tpu.memory_space<vmem>>) semaphore(%arg8 : memref<!tpu.dma_semaphore, #tpu.memory_space<semaphore_mem>>)
    %dma_start3A_12 = arith.constant 1 : i32
    %dma_start3A_13 = arith.constant 0 : i32
    %dma_start3A_14 = tpu.memref_slice %arg5[%dma_start3A_12, %dma_start3A_13] : memref<32x4xi32, #tpu.memory_space<vmem>> -> memref<1x4xi32, #tpu.memory_space<vmem>>
    %dma_start3A_15 = tpu.memref_squeeze %dma_start3A_14 : memref<1x4xi32, #tpu.memory_space<vmem>> -> memref<4xi32, #tpu.memory_space<vmem>>
    %dma_start3A_16 = arith.constant 0 : i32
    %dma_start3A_17 = arith.constant 0 : i32
    %dma_start3A_18 = arith.constant 0 : i32
    %dma_start3A_19 = tpu.memref_slice %arg2[%dma_start3A_16, %dma_start3A_17, %dma_start3A_18] : memref<128x24x512xf32, #tpu.memory_space<hbm>> -> memref<128x24x512xf32, #tpu.memory_space<hbm>>
    tpu.enqueue_indirect_dma source(%dma_start3A_19 : memref<128x24x512xf32, #tpu.memory_space<hbm>>) target(%arg7 : memref<4x24x512xf32, #tpu.memory_space<vmem>>) offsets(%dma_start3A_15 : memref<4xi32, #tpu.memory_space<vmem>>) semaphore(%arg9 : memref<!tpu.dma_semaphore, #tpu.memory_space<semaphore_mem>>)
    %scan3A = arith.constant 0 : i32
    %scan3A_20 = arith.constant 15 : i32
    %scan3A_21 = arith.addi %scan3A, %scan3A_20 : i32
    %scan3A_22 = arith.constant 1 : i32
    scf.for %scan3A_43 = %scan3A to %scan3A_21 step %scan3A_22  : i32 {
      %mul3A_44 = arith.constant 2 : i32
      %mul3A_45 = arith.muli %scan3A_43, %mul3A_44 : i32
      %add3A_46 = arith.constant 0 : i32
      %add3A_47 = arith.addi %add3A_46, %mul3A_45 : i32
      %add3A_48 = arith.constant 0 : i32
      %add3A_49 = arith.addi %add3A_47, %add3A_48 : i32
      %dma_wait3A_50 = arith.constant 0 : i32
      %dma_wait3A_51 = tpu.memref_slice %arg5[%add3A_49, %dma_wait3A_50] : memref<32x4xi32, #tpu.memory_space<vmem>> -> memref<1x4xi32, #tpu.memory_space<vmem>>
      %dma_wait3A_52 = tpu.memref_squeeze %dma_wait3A_51 : memref<1x4xi32, #tpu.memory_space<vmem>> -> memref<4xi32, #tpu.memory_space<vmem>>
      %dma_wait3A_53 = arith.constant 0 : i32
      %dma_wait3A_54 = arith.constant 0 : i32
      %dma_wait3A_55 = arith.constant 0 : i32
      %dma_wait3A_56 = tpu.memref_slice %arg2[%dma_wait3A_53, %dma_wait3A_54, %dma_wait3A_55] : memref<128x24x512xf32, #tpu.memory_space<hbm>> -> memref<128x24x512xf32, #tpu.memory_space<hbm>>
      tpu.wait_indirect_dma semaphore(%arg8 : memref<!tpu.dma_semaphore, #tpu.memory_space<semaphore_mem>>) src(%dma_wait3A_56 : memref<128x24x512xf32, #tpu.memory_space<hbm>>) dst(%arg6 : memref<4x24x512xf32, #tpu.memory_space<vmem>>)
      %mul3A_57 = arith.constant 4 : i32
      %mul3A_58 = arith.muli %add3A_49, %mul3A_57 : i32
      %add3A_59 = arith.addi %mul3A_2, %mul3A_58 : i32
      "tpu.region"() ({
        %run_scoped3A = tpu.sem_alloc : memref<!tpu.dma_semaphore, #tpu.memory_space<semaphore_mem>>
        %dma_start3A_90 = arith.constant 0 : i32
        %dma_start3A_91 = arith.constant 0 : i32
        %dma_start3A_92 = tpu.memref_slice %arg4[%add3A_59, %dma_start3A_90, %dma_start3A_91] : memref<4096x24x512xf32, #tpu.memory_space<hbm>> -> memref<4x24x512xf32, #tpu.memory_space<hbm>>
        %dma_start3A_93 = arith.constant 0 : i32
        %dma_start3A_94 = arith.constant 0 : i32
        %dma_start3A_95 = tpu.memref_slice %arg4[%add3A_59, %dma_start3A_93, %dma_start3A_94] : memref<4096x24x512xf32, #tpu.memory_space<hbm>> -> memref<4x24x512xf32, #tpu.memory_space<hbm>>
        tpu.enqueue_dma source(%arg6 : memref<4x24x512xf32, #tpu.memory_space<vmem>>) target(%dma_start3A_95 : memref<4x24x512xf32, #tpu.memory_space<hbm>>) target_semaphore(%run_scoped3A : memref<!tpu.dma_semaphore, #tpu.memory_space<semaphore_mem>>)
        %dma_wait3A_96 = arith.constant 0 : i32
        %dma_wait3A_97 = arith.constant 0 : i32
        %dma_wait3A_98 = tpu.memref_slice %arg4[%add3A_59, %dma_wait3A_96, %dma_wait3A_97] : memref<4096x24x512xf32, #tpu.memory_space<hbm>> -> memref<4x24x512xf32, #tpu.memory_space<hbm>>
        %dma_wait3A_99 = arith.constant 0 : i32
        %dma_wait3A_100 = arith.constant 0 : i32
        %dma_wait3A_101 = tpu.memref_slice %arg4[%add3A_59, %dma_wait3A_99, %dma_wait3A_100] : memref<4096x24x512xf32, #tpu.memory_space<hbm>> -> memref<4x24x512xf32, #tpu.memory_space<hbm>>
        tpu.wait_dma2 semaphore(%run_scoped3A : memref<!tpu.dma_semaphore, #tpu.memory_space<semaphore_mem>>) src(%arg6 : memref<4x24x512xf32, #tpu.memory_space<vmem>>) dst(%dma_wait3A_101 : memref<4x24x512xf32, #tpu.memory_space<hbm>>)
        tpu.yield
      }) : () -> ()
      %add3A_60 = arith.constant 2 : i32
      %add3A_61 = arith.addi %add3A_49, %add3A_60 : i32
      %dma_start3A_62 = arith.constant 0 : i32
      %dma_start3A_63 = tpu.memref_slice %arg5[%add3A_61, %dma_start3A_62] : memref<32x4xi32, #tpu.memory_space<vmem>> -> memref<1x4xi32, #tpu.memory_space<vmem>>
      %dma_start3A_64 = tpu.memref_squeeze %dma_start3A_63 : memref<1x4xi32, #tpu.memory_space<vmem>> -> memref<4xi32, #tpu.memory_space<vmem>>
      %dma_start3A_65 = arith.constant 0 : i32
      %dma_start3A_66 = arith.constant 0 : i32
      %dma_start3A_67 = arith.constant 0 : i32
      %dma_start3A_68 = tpu.memref_slice %arg2[%dma_start3A_65, %dma_start3A_66, %dma_start3A_67] : memref<128x24x512xf32, #tpu.memory_space<hbm>> -> memref<128x24x512xf32, #tpu.memory_space<hbm>>
      tpu.enqueue_indirect_dma source(%dma_start3A_68 : memref<128x24x512xf32, #tpu.memory_space<hbm>>) target(%arg6 : memref<4x24x512xf32, #tpu.memory_space<vmem>>) offsets(%dma_start3A_64 : memref<4xi32, #tpu.memory_space<vmem>>) semaphore(%arg8 : memref<!tpu.dma_semaphore, #tpu.memory_space<semaphore_mem>>)
      %add3A_69 = arith.constant 1 : i32
      %add3A_70 = arith.addi %add3A_47, %add3A_69 : i32
      %dma_wait3A_71 = arith.constant 0 : i32
      %dma_wait3A_72 = tpu.memref_slice %arg5[%add3A_70, %dma_wait3A_71] : memref<32x4xi32, #tpu.memory_space<vmem>> -> memref<1x4xi32, #tpu.memory_space<vmem>>
      %dma_wait3A_73 = tpu.memref_squeeze %dma_wait3A_72 : memref<1x4xi32, #tpu.memory_space<vmem>> -> memref<4xi32, #tpu.memory_space<vmem>>
      %dma_wait3A_74 = arith.constant 0 : i32
      %dma_wait3A_75 = arith.constant 0 : i32
      %dma_wait3A_76 = arith.constant 0 : i32
      %dma_wait3A_77 = tpu.memref_slice %arg2[%dma_wait3A_74, %dma_wait3A_75, %dma_wait3A_76] : memref<128x24x512xf32, #tpu.memory_space<hbm>> -> memref<128x24x512xf32, #tpu.memory_space<hbm>>
      tpu.wait_indirect_dma semaphore(%arg9 : memref<!tpu.dma_semaphore, #tpu.memory_space<semaphore_mem>>) src(%dma_wait3A_77 : memref<128x24x512xf32, #tpu.memory_space<hbm>>) dst(%arg7 : memref<4x24x512xf32, #tpu.memory_space<vmem>>)
      %mul3A_78 = arith.constant 4 : i32
      %mul3A_79 = arith.muli %add3A_70, %mul3A_78 : i32
      %add3A_80 = arith.addi %mul3A_2, %mul3A_79 : i32
      "tpu.region"() ({
        %run_scoped3A = tpu.sem_alloc : memref<!tpu.dma_semaphore, #tpu.memory_space<semaphore_mem>>
        %dma_start3A_90 = arith.constant 0 : i32
        %dma_start3A_91 = arith.constant 0 : i32
        %dma_start3A_92 = tpu.memref_slice %arg4[%add3A_80, %dma_start3A_90, %dma_start3A_91] : memref<4096x24x512xf32, #tpu.memory_space<hbm>> -> memref<4x24x512xf32, #tpu.memory_space<hbm>>
        %dma_start3A_93 = arith.constant 0 : i32
        %dma_start3A_94 = arith.constant 0 : i32
        %dma_start3A_95 = tpu.memref_slice %arg4[%add3A_80, %dma_start3A_93, %dma_start3A_94] : memref<4096x24x512xf32, #tpu.memory_space<hbm>> -> memref<4x24x512xf32, #tpu.memory_space<hbm>>
        tpu.enqueue_dma source(%arg7 : memref<4x24x512xf32, #tpu.memory_space<vmem>>) target(%dma_start3A_95 : memref<4x24x512xf32, #tpu.memory_space<hbm>>) target_semaphore(%run_scoped3A : memref<!tpu.dma_semaphore, #tpu.memory_space<semaphore_mem>>)
        %dma_wait3A_96 = arith.constant 0 : i32
        %dma_wait3A_97 = arith.constant 0 : i32
        %dma_wait3A_98 = tpu.memref_slice %arg4[%add3A_80, %dma_wait3A_96, %dma_wait3A_97] : memref<4096x24x512xf32, #tpu.memory_space<hbm>> -> memref<4x24x512xf32, #tpu.memory_space<hbm>>
        %dma_wait3A_99 = arith.constant 0 : i32
        %dma_wait3A_100 = arith.constant 0 : i32
        %dma_wait3A_101 = tpu.memref_slice %arg4[%add3A_80, %dma_wait3A_99, %dma_wait3A_100] : memref<4096x24x512xf32, #tpu.memory_space<hbm>> -> memref<4x24x512xf32, #tpu.memory_space<hbm>>
        tpu.wait_dma2 semaphore(%run_scoped3A : memref<!tpu.dma_semaphore, #tpu.memory_space<semaphore_mem>>) src(%arg7 : memref<4x24x512xf32, #tpu.memory_space<vmem>>) dst(%dma_wait3A_101 : memref<4x24x512xf32, #tpu.memory_space<hbm>>)
        tpu.yield
      }) : () -> ()
      %add3A_81 = arith.constant 2 : i32
      %add3A_82 = arith.addi %add3A_70, %add3A_81 : i32
      %dma_start3A_83 = arith.constant 0 : i32
      %dma_start3A_84 = tpu.memref_slice %arg5[%add3A_82, %dma_start3A_83] : memref<32x4xi32, #tpu.memory_space<vmem>> -> memref<1x4xi32, #tpu.memory_space<vmem>>
      %dma_start3A_85 = tpu.memref_squeeze %dma_start3A_84 : memref<1x4xi32, #tpu.memory_space<vmem>> -> memref<4xi32, #tpu.memory_space<vmem>>
      %dma_start3A_86 = arith.constant 0 : i32
      %dma_start3A_87 = arith.constant 0 : i32
      %dma_start3A_88 = arith.constant 0 : i32
      %dma_start3A_89 = tpu.memref_slice %arg2[%dma_start3A_86, %dma_start3A_87, %dma_start3A_88] : memref<128x24x512xf32, #tpu.memory_space<hbm>> -> memref<128x24x512xf32, #tpu.memory_space<hbm>>
      tpu.enqueue_indirect_dma source(%dma_start3A_89 : memref<128x24x512xf32, #tpu.memory_space<hbm>>) target(%arg7 : memref<4x24x512xf32, #tpu.memory_space<vmem>>) offsets(%dma_start3A_85 : memref<4xi32, #tpu.memory_space<vmem>>) semaphore(%arg9 : memref<!tpu.dma_semaphore, #tpu.memory_space<semaphore_mem>>)
    }
    %scan3A_23 = arith.constant 15 : i32
    %dma_wait3A = arith.constant 30 : i32
    %dma_wait3A_24 = arith.constant 0 : i32
    %dma_wait3A_25 = tpu.memref_slice %arg5[%dma_wait3A, %dma_wait3A_24] : memref<32x4xi32, #tpu.memory_space<vmem>> -> memref<1x4xi32, #tpu.memory_space<vmem>>
    %dma_wait3A_26 = tpu.memref_squeeze %dma_wait3A_25 : memref<1x4xi32, #tpu.memory_space<vmem>> -> memref<4xi32, #tpu.memory_space<vmem>>
    %dma_wait3A_27 = arith.constant 0 : i32
    %dma_wait3A_28 = arith.constant 0 : i32
    %dma_wait3A_29 = arith.constant 0 : i32
    %dma_wait3A_30 = tpu.memref_slice %arg2[%dma_wait3A_27, %dma_wait3A_28, %dma_wait3A_29] : memref<128x24x512xf32, #tpu.memory_space<hbm>> -> memref<128x24x512xf32, #tpu.memory_space<hbm>>
    tpu.wait_indirect_dma semaphore(%arg8 : memref<!tpu.dma_semaphore, #tpu.memory_space<semaphore_mem>>) src(%dma_wait3A_30 : memref<128x24x512xf32, #tpu.memory_space<hbm>>) dst(%arg6 : memref<4x24x512xf32, #tpu.memory_space<vmem>>)
    %add3A_31 = arith.constant 120 : i32
    %add3A_32 = arith.addi %mul3A_2, %add3A_31 : i32
    "tpu.region"() ({
      %run_scoped3A = tpu.sem_alloc : memref<!tpu.dma_semaphore, #tpu.memory_space<semaphore_mem>>
      %dma_start3A_43 = arith.constant 0 : i32
      %dma_start3A_44 = arith.constant 0 : i32
      %dma_start3A_45 = tpu.memref_slice %arg4[%add3A_32, %dma_start3A_43, %dma_start3A_44] : memref<4096x24x512xf32, #tpu.memory_space<hbm>> -> memref<4x24x512xf32, #tpu.memory_space<hbm>>
      %dma_start3A_46 = arith.constant 0 : i32
      %dma_start3A_47 = arith.constant 0 : i32
      %dma_start3A_48 = tpu.memref_slice %arg4[%add3A_32, %dma_start3A_46, %dma_start3A_47] : memref<4096x24x512xf32, #tpu.memory_space<hbm>> -> memref<4x24x512xf32, #tpu.memory_space<hbm>>
      tpu.enqueue_dma source(%arg6 : memref<4x24x512xf32, #tpu.memory_space<vmem>>) target(%dma_start3A_48 : memref<4x24x512xf32, #tpu.memory_space<hbm>>) target_semaphore(%run_scoped3A : memref<!tpu.dma_semaphore, #tpu.memory_space<semaphore_mem>>)
      %dma_wait3A_49 = arith.constant 0 : i32
      %dma_wait3A_50 = arith.constant 0 : i32
      %dma_wait3A_51 = tpu.memref_slice %arg4[%add3A_32, %dma_wait3A_49, %dma_wait3A_50] : memref<4096x24x512xf32, #tpu.memory_space<hbm>> -> memref<4x24x512xf32, #tpu.memory_space<hbm>>
      %dma_wait3A_52 = arith.constant 0 : i32
      %dma_wait3A_53 = arith.constant 0 : i32
      %dma_wait3A_54 = tpu.memref_slice %arg4[%add3A_32, %dma_wait3A_52, %dma_wait3A_53] : memref<4096x24x512xf32, #tpu.memory_space<hbm>> -> memref<4x24x512xf32, #tpu.memory_space<hbm>>
      tpu.wait_dma2 semaphore(%run_scoped3A : memref<!tpu.dma_semaphore, #tpu.memory_space<semaphore_mem>>) src(%arg6 : memref<4x24x512xf32, #tpu.memory_space<vmem>>) dst(%dma_wait3A_54 : memref<4x24x512xf32, #tpu.memory_space<hbm>>)
      tpu.yield
    }) : () -> ()
    %dma_wait3A_33 = arith.constant 31 : i32
    %dma_wait3A_34 = arith.constant 0 : i32
    %dma_wait3A_35 = tpu.memref_slice %arg5[%dma_wait3A_33, %dma_wait3A_34] : memref<32x4xi32, #tpu.memory_space<vmem>> -> memref<1x4xi32, #tpu.memory_space<vmem>>
    %dma_wait3A_36 = tpu.memref_squeeze %dma_wait3A_35 : memref<1x4xi32, #tpu.memory_space<vmem>> -> memref<4xi32, #tpu.memory_space<vmem>>
    %dma_wait3A_37 = arith.constant 0 : i32
    %dma_wait3A_38 = arith.constant 0 : i32
    %dma_wait3A_39 = arith.constant 0 : i32
    %dma_wait3A_40 = tpu.memref_slice %arg2[%dma_wait3A_37, %dma_wait3A_38, %dma_wait3A_39] : memref<128x24x512xf32, #tpu.memory_space<hbm>> -> memref<128x24x512xf32, #tpu.memory_space<hbm>>
    tpu.wait_indirect_dma semaphore(%arg9 : memref<!tpu.dma_semaphore, #tpu.memory_space<semaphore_mem>>) src(%dma_wait3A_40 : memref<128x24x512xf32, #tpu.memory_space<hbm>>) dst(%arg7 : memref<4x24x512xf32, #tpu.memory_space<vmem>>)
    %add3A_41 = arith.constant 124 : i32
    %add3A_42 = arith.addi %mul3A_2, %add3A_41 : i32
    "tpu.region"() ({
      %run_scoped3A = tpu.sem_alloc : memref<!tpu.dma_semaphore, #tpu.memory_space<semaphore_mem>>
      %dma_start3A_43 = arith.constant 0 : i32
      %dma_start3A_44 = arith.constant 0 : i32
      %dma_start3A_45 = tpu.memref_slice %arg4[%add3A_42, %dma_start3A_43, %dma_start3A_44] : memref<4096x24x512xf32, #tpu.memory_space<hbm>> -> memref<4x24x512xf32, #tpu.memory_space<hbm>>
      %dma_start3A_46 = arith.constant 0 : i32
      %dma_start3A_47 = arith.constant 0 : i32
      %dma_start3A_48 = tpu.memref_slice %arg4[%add3A_42, %dma_start3A_46, %dma_start3A_47] : memref<4096x24x512xf32, #tpu.memory_space<hbm>> -> memref<4x24x512xf32, #tpu.memory_space<hbm>>
      tpu.enqueue_dma source(%arg7 : memref<4x24x512xf32, #tpu.memory_space<vmem>>) target(%dma_start3A_48 : memref<4x24x512xf32, #tpu.memory_space<hbm>>) target_semaphore(%run_scoped3A : memref<!tpu.dma_semaphore, #tpu.memory_space<semaphore_mem>>)
      %dma_wait3A_49 = arith.constant 0 : i32
      %dma_wait3A_50 = arith.constant 0 : i32
      %dma_wait3A_51 = tpu.memref_slice %arg4[%add3A_42, %dma_wait3A_49, %dma_wait3A_50] : memref<4096x24x512xf32, #tpu.memory_space<hbm>> -> memref<4x24x512xf32, #tpu.memory_space<hbm>>
      %dma_wait3A_52 = arith.constant 0 : i32
      %dma_wait3A_53 = arith.constant 0 : i32
      %dma_wait3A_54 = tpu.memref_slice %arg4[%add3A_42, %dma_wait3A_52, %dma_wait3A_53] : memref<4096x24x512xf32, #tpu.memory_space<hbm>> -> memref<4x24x512xf32, #tpu.memory_space<hbm>>
      tpu.wait_dma2 semaphore(%run_scoped3A : memref<!tpu.dma_semaphore, #tpu.memory_space<semaphore_mem>>) src(%arg7 : memref<4x24x512xf32, #tpu.memory_space<vmem>>) dst(%dma_wait3A_54 : memref<4x24x512xf32, #tpu.memory_space<hbm>>)
      tpu.yield
    }) : () -> ()
    return
  }
}

module attributes {stable_mosaic.version = 14 : i64} {
  func.func @_index_kernel(%arg0: memref<32x128xf32, #tpu.memory_space<vmem>>, %arg1: memref<32x128xi32, #tpu.memory_space<vmem>>) attributes {dimension_semantics = [], scalar_prefetch = 0 : i64, scratch_operands = 0 : i64, tpu.core_type = #tpu.core_type<tc>} {
    %get3A = arith.constant 0 : index
    %get3A_0 = arith.constant 0 : index
    %get3A_1 = vector.load %arg0[%get3A, %get3A_0] : memref<32x128xf32, #tpu.memory_space<vmem>>, vector<32x128xf32>
    %bitcast_convert_type3A = tpu.bitcast %get3A_1 : vector<32x128xf32> -> vector<32x128xi32>
    %ge3A = arith.constant 0 : i32
    %ge3A_2 = vector.broadcast %ge3A : i32 to vector<32x128xi32>
    %ge3A_3 = arith.cmpi sge, %bitcast_convert_type3A, %ge3A_2 : vector<32x128xi32>
    %sub3A = arith.constant -2147483648 : i32
    %sub3A_4 = vector.broadcast %sub3A : i32 to vector<32x128xi32>
    %sub3A_5 = arith.subi %sub3A_4, %bitcast_convert_type3A : vector<32x128xi32>
    %select_n3A = arith.select %ge3A_3, %bitcast_convert_type3A, %sub3A_5 : vector<32x128xi1>, vector<32x128xi32>
    %lt3A = arith.constant 0 : i32
    %lt3A_6 = vector.broadcast %lt3A : i32 to vector<32x128xi32>
    %lt3A_7 = arith.cmpi slt, %select_n3A, %lt3A_6 : vector<32x128xi32>
    %convert_element_type3A = arith.extui %lt3A_7 : vector<32x128xi1> to vector<32x128xi32>
    %reduce_sum3A = vector.shape_cast %convert_element_type3A : vector<32x128xi32> to vector<1x32x128xi32>
    %reduce_sum3A_8 = arith.constant dense<0> : vector<1xi32>
    %reduce_sum3A_9 = vector.multi_reduction <add>, %reduce_sum3A, %reduce_sum3A_8 [1, 2] : vector<1x32x128xi32> to vector<1xi32>
    %reduce_sum3A_10 = vector.shape_cast %reduce_sum3A_9 : vector<1xi32> to vector<1x1x1xi32>
    %reduce_sum3A_11 = vector.extract %reduce_sum3A_10[0, 0, 0] : i32 from vector<1x1x1xi32>
    %le3A = arith.constant 1023 : i32
    %le3A_12 = arith.cmpi sle, %reduce_sum3A_11, %le3A : i32
    %jit3A = arith.constant 0 : i32
    %jit3A_13 = arith.constant -2147483648 : i32
    %select_n3A_14 = arith.select %le3A_12, %jit3A, %jit3A_13 : i32
    %add3A = arith.constant 1073741824 : i32
    %add3A_15 = arith.addi %select_n3A_14, %add3A : i32
    %lt3A_16 = vector.broadcast %add3A_15 : i32 to vector<32x128xi32>
    %lt3A_17 = arith.cmpi slt, %select_n3A, %lt3A_16 : vector<32x128xi32>
    %convert_element_type3A_18 = arith.extui %lt3A_17 : vector<32x128xi1> to vector<32x128xi32>
    %reduce_sum3A_19 = vector.shape_cast %convert_element_type3A_18 : vector<32x128xi32> to vector<1x32x128xi32>
    %reduce_sum3A_20 = arith.constant dense<0> : vector<1xi32>
    %reduce_sum3A_21 = vector.multi_reduction <add>, %reduce_sum3A_19, %reduce_sum3A_20 [1, 2] : vector<1x32x128xi32> to vector<1xi32>
    %reduce_sum3A_22 = vector.shape_cast %reduce_sum3A_21 : vector<1xi32> to vector<1x1x1xi32>
    %reduce_sum3A_23 = vector.extract %reduce_sum3A_22[0, 0, 0] : i32 from vector<1x1x1xi32>
    %le3A_24 = arith.constant 1023 : i32
    %le3A_25 = arith.cmpi sle, %reduce_sum3A_23, %le3A_24 : i32
    %select_n3A_26 = arith.select %le3A_25, %add3A_15, %select_n3A_14 : i32
    %add3A_27 = arith.constant 536870912 : i32
    %add3A_28 = arith.addi %select_n3A_26, %add3A_27 : i32
    %lt3A_29 = vector.broadcast %add3A_28 : i32 to vector<32x128xi32>
    %lt3A_30 = arith.cmpi slt, %select_n3A, %lt3A_29 : vector<32x128xi32>
    %convert_element_type3A_31 = arith.extui %lt3A_30 : vector<32x128xi1> to vector<32x128xi32>
    %reduce_sum3A_32 = vector.shape_cast %convert_element_type3A_31 : vector<32x128xi32> to vector<1x32x128xi32>
    %reduce_sum3A_33 = arith.constant dense<0> : vector<1xi32>
    %reduce_sum3A_34 = vector.multi_reduction <add>, %reduce_sum3A_32, %reduce_sum3A_33 [1, 2] : vector<1x32x128xi32> to vector<1xi32>
    %reduce_sum3A_35 = vector.shape_cast %reduce_sum3A_34 : vector<1xi32> to vector<1x1x1xi32>
    %reduce_sum3A_36 = vector.extract %reduce_sum3A_35[0, 0, 0] : i32 from vector<1x1x1xi32>
    %le3A_37 = arith.constant 1023 : i32
    %le3A_38 = arith.cmpi sle, %reduce_sum3A_36, %le3A_37 : i32
    %select_n3A_39 = arith.select %le3A_38, %add3A_28, %select_n3A_26 : i32
    %add3A_40 = arith.constant 268435456 : i32
    %add3A_41 = arith.addi %select_n3A_39, %add3A_40 : i32
    %lt3A_42 = vector.broadcast %add3A_41 : i32 to vector<32x128xi32>
    %lt3A_43 = arith.cmpi slt, %select_n3A, %lt3A_42 : vector<32x128xi32>
    %convert_element_type3A_44 = arith.extui %lt3A_43 : vector<32x128xi1> to vector<32x128xi32>
    %reduce_sum3A_45 = vector.shape_cast %convert_element_type3A_44 : vector<32x128xi32> to vector<1x32x128xi32>
    %reduce_sum3A_46 = arith.constant dense<0> : vector<1xi32>
    %reduce_sum3A_47 = vector.multi_reduction <add>, %reduce_sum3A_45, %reduce_sum3A_46 [1, 2] : vector<1x32x128xi32> to vector<1xi32>
    %reduce_sum3A_48 = vector.shape_cast %reduce_sum3A_47 : vector<1xi32> to vector<1x1x1xi32>
    %reduce_sum3A_49 = vector.extract %reduce_sum3A_48[0, 0, 0] : i32 from vector<1x1x1xi32>
    %le3A_50 = arith.constant 1023 : i32
    %le3A_51 = arith.cmpi sle, %reduce_sum3A_49, %le3A_50 : i32
    %select_n3A_52 = arith.select %le3A_51, %add3A_41, %select_n3A_39 : i32
    %add3A_53 = arith.constant 134217728 : i32
    %add3A_54 = arith.addi %select_n3A_52, %add3A_53 : i32
    %lt3A_55 = vector.broadcast %add3A_54 : i32 to vector<32x128xi32>
    %lt3A_56 = arith.cmpi slt, %select_n3A, %lt3A_55 : vector<32x128xi32>
    %convert_element_type3A_57 = arith.extui %lt3A_56 : vector<32x128xi1> to vector<32x128xi32>
    %reduce_sum3A_58 = vector.shape_cast %convert_element_type3A_57 : vector<32x128xi32> to vector<1x32x128xi32>
    %reduce_sum3A_59 = arith.constant dense<0> : vector<1xi32>
    %reduce_sum3A_60 = vector.multi_reduction <add>, %reduce_sum3A_58, %reduce_sum3A_59 [1, 2] : vector<1x32x128xi32> to vector<1xi32>
    %reduce_sum3A_61 = vector.shape_cast %reduce_sum3A_60 : vector<1xi32> to vector<1x1x1xi32>
    %reduce_sum3A_62 = vector.extract %reduce_sum3A_61[0, 0, 0] : i32 from vector<1x1x1xi32>
    %le3A_63 = arith.constant 1023 : i32
    %le3A_64 = arith.cmpi sle, %reduce_sum3A_62, %le3A_63 : i32
    %select_n3A_65 = arith.select %le3A_64, %add3A_54, %select_n3A_52 : i32
    %add3A_66 = arith.constant 67108864 : i32
    %add3A_67 = arith.addi %select_n3A_65, %add3A_66 : i32
    %lt3A_68 = vector.broadcast %add3A_67 : i32 to vector<32x128xi32>
    %lt3A_69 = arith.cmpi slt, %select_n3A, %lt3A_68 : vector<32x128xi32>
    %convert_element_type3A_70 = arith.extui %lt3A_69 : vector<32x128xi1> to vector<32x128xi32>
    %reduce_sum3A_71 = vector.shape_cast %convert_element_type3A_70 : vector<32x128xi32> to vector<1x32x128xi32>
    %reduce_sum3A_72 = arith.constant dense<0> : vector<1xi32>
    %reduce_sum3A_73 = vector.multi_reduction <add>, %reduce_sum3A_71, %reduce_sum3A_72 [1, 2] : vector<1x32x128xi32> to vector<1xi32>
    %reduce_sum3A_74 = vector.shape_cast %reduce_sum3A_73 : vector<1xi32> to vector<1x1x1xi32>
    %reduce_sum3A_75 = vector.extract %reduce_sum3A_74[0, 0, 0] : i32 from vector<1x1x1xi32>
    %le3A_76 = arith.constant 1023 : i32
    %le3A_77 = arith.cmpi sle, %reduce_sum3A_75, %le3A_76 : i32
    %select_n3A_78 = arith.select %le3A_77, %add3A_67, %select_n3A_65 : i32
    %add3A_79 = arith.constant 33554432 : i32
    %add3A_80 = arith.addi %select_n3A_78, %add3A_79 : i32
    %lt3A_81 = vector.broadcast %add3A_80 : i32 to vector<32x128xi32>
    %lt3A_82 = arith.cmpi slt, %select_n3A, %lt3A_81 : vector<32x128xi32>
    %convert_element_type3A_83 = arith.extui %lt3A_82 : vector<32x128xi1> to vector<32x128xi32>
    %reduce_sum3A_84 = vector.shape_cast %convert_element_type3A_83 : vector<32x128xi32> to vector<1x32x128xi32>
    %reduce_sum3A_85 = arith.constant dense<0> : vector<1xi32>
    %reduce_sum3A_86 = vector.multi_reduction <add>, %reduce_sum3A_84, %reduce_sum3A_85 [1, 2] : vector<1x32x128xi32> to vector<1xi32>
    %reduce_sum3A_87 = vector.shape_cast %reduce_sum3A_86 : vector<1xi32> to vector<1x1x1xi32>
    %reduce_sum3A_88 = vector.extract %reduce_sum3A_87[0, 0, 0] : i32 from vector<1x1x1xi32>
    %le3A_89 = arith.constant 1023 : i32
    %le3A_90 = arith.cmpi sle, %reduce_sum3A_88, %le3A_89 : i32
    %select_n3A_91 = arith.select %le3A_90, %add3A_80, %select_n3A_78 : i32
    %add3A_92 = arith.constant 16777216 : i32
    %add3A_93 = arith.addi %select_n3A_91, %add3A_92 : i32
    %lt3A_94 = vector.broadcast %add3A_93 : i32 to vector<32x128xi32>
    %lt3A_95 = arith.cmpi slt, %select_n3A, %lt3A_94 : vector<32x128xi32>
    %convert_element_type3A_96 = arith.extui %lt3A_95 : vector<32x128xi1> to vector<32x128xi32>
    %reduce_sum3A_97 = vector.shape_cast %convert_element_type3A_96 : vector<32x128xi32> to vector<1x32x128xi32>
    %reduce_sum3A_98 = arith.constant dense<0> : vector<1xi32>
    %reduce_sum3A_99 = vector.multi_reduction <add>, %reduce_sum3A_97, %reduce_sum3A_98 [1, 2] : vector<1x32x128xi32> to vector<1xi32>
    %reduce_sum3A_100 = vector.shape_cast %reduce_sum3A_99 : vector<1xi32> to vector<1x1x1xi32>
    %reduce_sum3A_101 = vector.extract %reduce_sum3A_100[0, 0, 0] : i32 from vector<1x1x1xi32>
    %le3A_102 = arith.constant 1023 : i32
    %le3A_103 = arith.cmpi sle, %reduce_sum3A_101, %le3A_102 : i32
    %select_n3A_104 = arith.select %le3A_103, %add3A_93, %select_n3A_91 : i32
    %add3A_105 = arith.constant 8388608 : i32
    %add3A_106 = arith.addi %select_n3A_104, %add3A_105 : i32
    %lt3A_107 = vector.broadcast %add3A_106 : i32 to vector<32x128xi32>
    %lt3A_108 = arith.cmpi slt, %select_n3A, %lt3A_107 : vector<32x128xi32>
    %convert_element_type3A_109 = arith.extui %lt3A_108 : vector<32x128xi1> to vector<32x128xi32>
    %reduce_sum3A_110 = vector.shape_cast %convert_element_type3A_109 : vector<32x128xi32> to vector<1x32x128xi32>
    %reduce_sum3A_111 = arith.constant dense<0> : vector<1xi32>
    %reduce_sum3A_112 = vector.multi_reduction <add>, %reduce_sum3A_110, %reduce_sum3A_111 [1, 2] : vector<1x32x128xi32> to vector<1xi32>
    %reduce_sum3A_113 = vector.shape_cast %reduce_sum3A_112 : vector<1xi32> to vector<1x1x1xi32>
    %reduce_sum3A_114 = vector.extract %reduce_sum3A_113[0, 0, 0] : i32 from vector<1x1x1xi32>
    %le3A_115 = arith.constant 1023 : i32
    %le3A_116 = arith.cmpi sle, %reduce_sum3A_114, %le3A_115 : i32
    %select_n3A_117 = arith.select %le3A_116, %add3A_106, %select_n3A_104 : i32
    %add3A_118 = arith.constant 4194304 : i32
    %add3A_119 = arith.addi %select_n3A_117, %add3A_118 : i32
    %lt3A_120 = vector.broadcast %add3A_119 : i32 to vector<32x128xi32>
    %lt3A_121 = arith.cmpi slt, %select_n3A, %lt3A_120 : vector<32x128xi32>
    %convert_element_type3A_122 = arith.extui %lt3A_121 : vector<32x128xi1> to vector<32x128xi32>
    %reduce_sum3A_123 = vector.shape_cast %convert_element_type3A_122 : vector<32x128xi32> to vector<1x32x128xi32>
    %reduce_sum3A_124 = arith.constant dense<0> : vector<1xi32>
    %reduce_sum3A_125 = vector.multi_reduction <add>, %reduce_sum3A_123, %reduce_sum3A_124 [1, 2] : vector<1x32x128xi32> to vector<1xi32>
    %reduce_sum3A_126 = vector.shape_cast %reduce_sum3A_125 : vector<1xi32> to vector<1x1x1xi32>
    %reduce_sum3A_127 = vector.extract %reduce_sum3A_126[0, 0, 0] : i32 from vector<1x1x1xi32>
    %le3A_128 = arith.constant 1023 : i32
    %le3A_129 = arith.cmpi sle, %reduce_sum3A_127, %le3A_128 : i32
    %select_n3A_130 = arith.select %le3A_129, %add3A_119, %select_n3A_117 : i32
    %add3A_131 = arith.constant 2097152 : i32
    %add3A_132 = arith.addi %select_n3A_130, %add3A_131 : i32
    %lt3A_133 = vector.broadcast %add3A_132 : i32 to vector<32x128xi32>
    %lt3A_134 = arith.cmpi slt, %select_n3A, %lt3A_133 : vector<32x128xi32>
    %convert_element_type3A_135 = arith.extui %lt3A_134 : vector<32x128xi1> to vector<32x128xi32>
    %reduce_sum3A_136 = vector.shape_cast %convert_element_type3A_135 : vector<32x128xi32> to vector<1x32x128xi32>
    %reduce_sum3A_137 = arith.constant dense<0> : vector<1xi32>
    %reduce_sum3A_138 = vector.multi_reduction <add>, %reduce_sum3A_136, %reduce_sum3A_137 [1, 2] : vector<1x32x128xi32> to vector<1xi32>
    %reduce_sum3A_139 = vector.shape_cast %reduce_sum3A_138 : vector<1xi32> to vector<1x1x1xi32>
    %reduce_sum3A_140 = vector.extract %reduce_sum3A_139[0, 0, 0] : i32 from vector<1x1x1xi32>
    %le3A_141 = arith.constant 1023 : i32
    %le3A_142 = arith.cmpi sle, %reduce_sum3A_140, %le3A_141 : i32
    %select_n3A_143 = arith.select %le3A_142, %add3A_132, %select_n3A_130 : i32
    %add3A_144 = arith.constant 1048576 : i32
    %add3A_145 = arith.addi %select_n3A_143, %add3A_144 : i32
    %lt3A_146 = vector.broadcast %add3A_145 : i32 to vector<32x128xi32>
    %lt3A_147 = arith.cmpi slt, %select_n3A, %lt3A_146 : vector<32x128xi32>
    %convert_element_type3A_148 = arith.extui %lt3A_147 : vector<32x128xi1> to vector<32x128xi32>
    %reduce_sum3A_149 = vector.shape_cast %convert_element_type3A_148 : vector<32x128xi32> to vector<1x32x128xi32>
    %reduce_sum3A_150 = arith.constant dense<0> : vector<1xi32>
    %reduce_sum3A_151 = vector.multi_reduction <add>, %reduce_sum3A_149, %reduce_sum3A_150 [1, 2] : vector<1x32x128xi32> to vector<1xi32>
    %reduce_sum3A_152 = vector.shape_cast %reduce_sum3A_151 : vector<1xi32> to vector<1x1x1xi32>
    %reduce_sum3A_153 = vector.extract %reduce_sum3A_152[0, 0, 0] : i32 from vector<1x1x1xi32>
    %le3A_154 = arith.constant 1023 : i32
    %le3A_155 = arith.cmpi sle, %reduce_sum3A_153, %le3A_154 : i32
    %select_n3A_156 = arith.select %le3A_155, %add3A_145, %select_n3A_143 : i32
    %add3A_157 = arith.constant 524288 : i32
    %add3A_158 = arith.addi %select_n3A_156, %add3A_157 : i32
    %lt3A_159 = vector.broadcast %add3A_158 : i32 to vector<32x128xi32>
    %lt3A_160 = arith.cmpi slt, %select_n3A, %lt3A_159 : vector<32x128xi32>
    %convert_element_type3A_161 = arith.extui %lt3A_160 : vector<32x128xi1> to vector<32x128xi32>
    %reduce_sum3A_162 = vector.shape_cast %convert_element_type3A_161 : vector<32x128xi32> to vector<1x32x128xi32>
    %reduce_sum3A_163 = arith.constant dense<0> : vector<1xi32>
    %reduce_sum3A_164 = vector.multi_reduction <add>, %reduce_sum3A_162, %reduce_sum3A_163 [1, 2] : vector<1x32x128xi32> to vector<1xi32>
    %reduce_sum3A_165 = vector.shape_cast %reduce_sum3A_164 : vector<1xi32> to vector<1x1x1xi32>
    %reduce_sum3A_166 = vector.extract %reduce_sum3A_165[0, 0, 0] : i32 from vector<1x1x1xi32>
    %le3A_167 = arith.constant 1023 : i32
    %le3A_168 = arith.cmpi sle, %reduce_sum3A_166, %le3A_167 : i32
    %select_n3A_169 = arith.select %le3A_168, %add3A_158, %select_n3A_156 : i32
    %add3A_170 = arith.constant 262144 : i32
    %add3A_171 = arith.addi %select_n3A_169, %add3A_170 : i32
    %lt3A_172 = vector.broadcast %add3A_171 : i32 to vector<32x128xi32>
    %lt3A_173 = arith.cmpi slt, %select_n3A, %lt3A_172 : vector<32x128xi32>
    %convert_element_type3A_174 = arith.extui %lt3A_173 : vector<32x128xi1> to vector<32x128xi32>
    %reduce_sum3A_175 = vector.shape_cast %convert_element_type3A_174 : vector<32x128xi32> to vector<1x32x128xi32>
    %reduce_sum3A_176 = arith.constant dense<0> : vector<1xi32>
    %reduce_sum3A_177 = vector.multi_reduction <add>, %reduce_sum3A_175, %reduce_sum3A_176 [1, 2] : vector<1x32x128xi32> to vector<1xi32>
    %reduce_sum3A_178 = vector.shape_cast %reduce_sum3A_177 : vector<1xi32> to vector<1x1x1xi32>
    %reduce_sum3A_179 = vector.extract %reduce_sum3A_178[0, 0, 0] : i32 from vector<1x1x1xi32>
    %le3A_180 = arith.constant 1023 : i32
    %le3A_181 = arith.cmpi sle, %reduce_sum3A_179, %le3A_180 : i32
    %select_n3A_182 = arith.select %le3A_181, %add3A_171, %select_n3A_169 : i32
    %add3A_183 = arith.constant 131072 : i32
    %add3A_184 = arith.addi %select_n3A_182, %add3A_183 : i32
    %lt3A_185 = vector.broadcast %add3A_184 : i32 to vector<32x128xi32>
    %lt3A_186 = arith.cmpi slt, %select_n3A, %lt3A_185 : vector<32x128xi32>
    %convert_element_type3A_187 = arith.extui %lt3A_186 : vector<32x128xi1> to vector<32x128xi32>
    %reduce_sum3A_188 = vector.shape_cast %convert_element_type3A_187 : vector<32x128xi32> to vector<1x32x128xi32>
    %reduce_sum3A_189 = arith.constant dense<0> : vector<1xi32>
    %reduce_sum3A_190 = vector.multi_reduction <add>, %reduce_sum3A_188, %reduce_sum3A_189 [1, 2] : vector<1x32x128xi32> to vector<1xi32>
    %reduce_sum3A_191 = vector.shape_cast %reduce_sum3A_190 : vector<1xi32> to vector<1x1x1xi32>
    %reduce_sum3A_192 = vector.extract %reduce_sum3A_191[0, 0, 0] : i32 from vector<1x1x1xi32>
    %le3A_193 = arith.constant 1023 : i32
    %le3A_194 = arith.cmpi sle, %reduce_sum3A_192, %le3A_193 : i32
    %select_n3A_195 = arith.select %le3A_194, %add3A_184, %select_n3A_182 : i32
    %add3A_196 = arith.constant 65536 : i32
    %add3A_197 = arith.addi %select_n3A_195, %add3A_196 : i32
    %lt3A_198 = vector.broadcast %add3A_197 : i32 to vector<32x128xi32>
    %lt3A_199 = arith.cmpi slt, %select_n3A, %lt3A_198 : vector<32x128xi32>
    %convert_element_type3A_200 = arith.extui %lt3A_199 : vector<32x128xi1> to vector<32x128xi32>
    %reduce_sum3A_201 = vector.shape_cast %convert_element_type3A_200 : vector<32x128xi32> to vector<1x32x128xi32>
    %reduce_sum3A_202 = arith.constant dense<0> : vector<1xi32>
    %reduce_sum3A_203 = vector.multi_reduction <add>, %reduce_sum3A_201, %reduce_sum3A_202 [1, 2] : vector<1x32x128xi32> to vector<1xi32>
    %reduce_sum3A_204 = vector.shape_cast %reduce_sum3A_203 : vector<1xi32> to vector<1x1x1xi32>
    %reduce_sum3A_205 = vector.extract %reduce_sum3A_204[0, 0, 0] : i32 from vector<1x1x1xi32>
    %le3A_206 = arith.constant 1023 : i32
    %le3A_207 = arith.cmpi sle, %reduce_sum3A_205, %le3A_206 : i32
    %select_n3A_208 = arith.select %le3A_207, %add3A_197, %select_n3A_195 : i32
    %add3A_209 = arith.constant 32768 : i32
    %add3A_210 = arith.addi %select_n3A_208, %add3A_209 : i32
    %lt3A_211 = vector.broadcast %add3A_210 : i32 to vector<32x128xi32>
    %lt3A_212 = arith.cmpi slt, %select_n3A, %lt3A_211 : vector<32x128xi32>
    %convert_element_type3A_213 = arith.extui %lt3A_212 : vector<32x128xi1> to vector<32x128xi32>
    %reduce_sum3A_214 = vector.shape_cast %convert_element_type3A_213 : vector<32x128xi32> to vector<1x32x128xi32>
    %reduce_sum3A_215 = arith.constant dense<0> : vector<1xi32>
    %reduce_sum3A_216 = vector.multi_reduction <add>, %reduce_sum3A_214, %reduce_sum3A_215 [1, 2] : vector<1x32x128xi32> to vector<1xi32>
    %reduce_sum3A_217 = vector.shape_cast %reduce_sum3A_216 : vector<1xi32> to vector<1x1x1xi32>
    %reduce_sum3A_218 = vector.extract %reduce_sum3A_217[0, 0, 0] : i32 from vector<1x1x1xi32>
    %le3A_219 = arith.constant 1023 : i32
    %le3A_220 = arith.cmpi sle, %reduce_sum3A_218, %le3A_219 : i32
    %select_n3A_221 = arith.select %le3A_220, %add3A_210, %select_n3A_208 : i32
    %add3A_222 = arith.constant 16384 : i32
    %add3A_223 = arith.addi %select_n3A_221, %add3A_222 : i32
    %lt3A_224 = vector.broadcast %add3A_223 : i32 to vector<32x128xi32>
    %lt3A_225 = arith.cmpi slt, %select_n3A, %lt3A_224 : vector<32x128xi32>
    %convert_element_type3A_226 = arith.extui %lt3A_225 : vector<32x128xi1> to vector<32x128xi32>
    %reduce_sum3A_227 = vector.shape_cast %convert_element_type3A_226 : vector<32x128xi32> to vector<1x32x128xi32>
    %reduce_sum3A_228 = arith.constant dense<0> : vector<1xi32>
    %reduce_sum3A_229 = vector.multi_reduction <add>, %reduce_sum3A_227, %reduce_sum3A_228 [1, 2] : vector<1x32x128xi32> to vector<1xi32>
    %reduce_sum3A_230 = vector.shape_cast %reduce_sum3A_229 : vector<1xi32> to vector<1x1x1xi32>
    %reduce_sum3A_231 = vector.extract %reduce_sum3A_230[0, 0, 0] : i32 from vector<1x1x1xi32>
    %le3A_232 = arith.constant 1023 : i32
    %le3A_233 = arith.cmpi sle, %reduce_sum3A_231, %le3A_232 : i32
    %select_n3A_234 = arith.select %le3A_233, %add3A_223, %select_n3A_221 : i32
    %add3A_235 = arith.constant 8192 : i32
    %add3A_236 = arith.addi %select_n3A_234, %add3A_235 : i32
    %lt3A_237 = vector.broadcast %add3A_236 : i32 to vector<32x128xi32>
    %lt3A_238 = arith.cmpi slt, %select_n3A, %lt3A_237 : vector<32x128xi32>
    %convert_element_type3A_239 = arith.extui %lt3A_238 : vector<32x128xi1> to vector<32x128xi32>
    %reduce_sum3A_240 = vector.shape_cast %convert_element_type3A_239 : vector<32x128xi32> to vector<1x32x128xi32>
    %reduce_sum3A_241 = arith.constant dense<0> : vector<1xi32>
    %reduce_sum3A_242 = vector.multi_reduction <add>, %reduce_sum3A_240, %reduce_sum3A_241 [1, 2] : vector<1x32x128xi32> to vector<1xi32>
    %reduce_sum3A_243 = vector.shape_cast %reduce_sum3A_242 : vector<1xi32> to vector<1x1x1xi32>
    %reduce_sum3A_244 = vector.extract %reduce_sum3A_243[0, 0, 0] : i32 from vector<1x1x1xi32>
    %le3A_245 = arith.constant 1023 : i32
    %le3A_246 = arith.cmpi sle, %reduce_sum3A_244, %le3A_245 : i32
    %select_n3A_247 = arith.select %le3A_246, %add3A_236, %select_n3A_234 : i32
    %add3A_248 = arith.constant 4096 : i32
    %add3A_249 = arith.addi %select_n3A_247, %add3A_248 : i32
    %lt3A_250 = vector.broadcast %add3A_249 : i32 to vector<32x128xi32>
    %lt3A_251 = arith.cmpi slt, %select_n3A, %lt3A_250 : vector<32x128xi32>
    %convert_element_type3A_252 = arith.extui %lt3A_251 : vector<32x128xi1> to vector<32x128xi32>
    %reduce_sum3A_253 = vector.shape_cast %convert_element_type3A_252 : vector<32x128xi32> to vector<1x32x128xi32>
    %reduce_sum3A_254 = arith.constant dense<0> : vector<1xi32>
    %reduce_sum3A_255 = vector.multi_reduction <add>, %reduce_sum3A_253, %reduce_sum3A_254 [1, 2] : vector<1x32x128xi32> to vector<1xi32>
    %reduce_sum3A_256 = vector.shape_cast %reduce_sum3A_255 : vector<1xi32> to vector<1x1x1xi32>
    %reduce_sum3A_257 = vector.extract %reduce_sum3A_256[0, 0, 0] : i32 from vector<1x1x1xi32>
    %le3A_258 = arith.constant 1023 : i32
    %le3A_259 = arith.cmpi sle, %reduce_sum3A_257, %le3A_258 : i32
    %select_n3A_260 = arith.select %le3A_259, %add3A_249, %select_n3A_247 : i32
    %add3A_261 = arith.constant 2048 : i32
    %add3A_262 = arith.addi %select_n3A_260, %add3A_261 : i32
    %lt3A_263 = vector.broadcast %add3A_262 : i32 to vector<32x128xi32>
    %lt3A_264 = arith.cmpi slt, %select_n3A, %lt3A_263 : vector<32x128xi32>
    %convert_element_type3A_265 = arith.extui %lt3A_264 : vector<32x128xi1> to vector<32x128xi32>
    %reduce_sum3A_266 = vector.shape_cast %convert_element_type3A_265 : vector<32x128xi32> to vector<1x32x128xi32>
    %reduce_sum3A_267 = arith.constant dense<0> : vector<1xi32>
    %reduce_sum3A_268 = vector.multi_reduction <add>, %reduce_sum3A_266, %reduce_sum3A_267 [1, 2] : vector<1x32x128xi32> to vector<1xi32>
    %reduce_sum3A_269 = vector.shape_cast %reduce_sum3A_268 : vector<1xi32> to vector<1x1x1xi32>
    %reduce_sum3A_270 = vector.extract %reduce_sum3A_269[0, 0, 0] : i32 from vector<1x1x1xi32>
    %le3A_271 = arith.constant 1023 : i32
    %le3A_272 = arith.cmpi sle, %reduce_sum3A_270, %le3A_271 : i32
    %select_n3A_273 = arith.select %le3A_272, %add3A_262, %select_n3A_260 : i32
    %add3A_274 = arith.constant 1024 : i32
    %add3A_275 = arith.addi %select_n3A_273, %add3A_274 : i32
    %lt3A_276 = vector.broadcast %add3A_275 : i32 to vector<32x128xi32>
    %lt3A_277 = arith.cmpi slt, %select_n3A, %lt3A_276 : vector<32x128xi32>
    %convert_element_type3A_278 = arith.extui %lt3A_277 : vector<32x128xi1> to vector<32x128xi32>
    %reduce_sum3A_279 = vector.shape_cast %convert_element_type3A_278 : vector<32x128xi32> to vector<1x32x128xi32>
    %reduce_sum3A_280 = arith.constant dense<0> : vector<1xi32>
    %reduce_sum3A_281 = vector.multi_reduction <add>, %reduce_sum3A_279, %reduce_sum3A_280 [1, 2] : vector<1x32x128xi32> to vector<1xi32>
    %reduce_sum3A_282 = vector.shape_cast %reduce_sum3A_281 : vector<1xi32> to vector<1x1x1xi32>
    %reduce_sum3A_283 = vector.extract %reduce_sum3A_282[0, 0, 0] : i32 from vector<1x1x1xi32>
    %le3A_284 = arith.constant 1023 : i32
    %le3A_285 = arith.cmpi sle, %reduce_sum3A_283, %le3A_284 : i32
    %select_n3A_286 = arith.select %le3A_285, %add3A_275, %select_n3A_273 : i32
    %add3A_287 = arith.constant 512 : i32
    %add3A_288 = arith.addi %select_n3A_286, %add3A_287 : i32
    %lt3A_289 = vector.broadcast %add3A_288 : i32 to vector<32x128xi32>
    %lt3A_290 = arith.cmpi slt, %select_n3A, %lt3A_289 : vector<32x128xi32>
    %convert_element_type3A_291 = arith.extui %lt3A_290 : vector<32x128xi1> to vector<32x128xi32>
    %reduce_sum3A_292 = vector.shape_cast %convert_element_type3A_291 : vector<32x128xi32> to vector<1x32x128xi32>
    %reduce_sum3A_293 = arith.constant dense<0> : vector<1xi32>
    %reduce_sum3A_294 = vector.multi_reduction <add>, %reduce_sum3A_292, %reduce_sum3A_293 [1, 2] : vector<1x32x128xi32> to vector<1xi32>
    %reduce_sum3A_295 = vector.shape_cast %reduce_sum3A_294 : vector<1xi32> to vector<1x1x1xi32>
    %reduce_sum3A_296 = vector.extract %reduce_sum3A_295[0, 0, 0] : i32 from vector<1x1x1xi32>
    %le3A_297 = arith.constant 1023 : i32
    %le3A_298 = arith.cmpi sle, %reduce_sum3A_296, %le3A_297 : i32
    %select_n3A_299 = arith.select %le3A_298, %add3A_288, %select_n3A_286 : i32
    %add3A_300 = arith.constant 256 : i32
    %add3A_301 = arith.addi %select_n3A_299, %add3A_300 : i32
    %lt3A_302 = vector.broadcast %add3A_301 : i32 to vector<32x128xi32>
    %lt3A_303 = arith.cmpi slt, %select_n3A, %lt3A_302 : vector<32x128xi32>
    %convert_element_type3A_304 = arith.extui %lt3A_303 : vector<32x128xi1> to vector<32x128xi32>
    %reduce_sum3A_305 = vector.shape_cast %convert_element_type3A_304 : vector<32x128xi32> to vector<1x32x128xi32>
    %reduce_sum3A_306 = arith.constant dense<0> : vector<1xi32>
    %reduce_sum3A_307 = vector.multi_reduction <add>, %reduce_sum3A_305, %reduce_sum3A_306 [1, 2] : vector<1x32x128xi32> to vector<1xi32>
    %reduce_sum3A_308 = vector.shape_cast %reduce_sum3A_307 : vector<1xi32> to vector<1x1x1xi32>
    %reduce_sum3A_309 = vector.extract %reduce_sum3A_308[0, 0, 0] : i32 from vector<1x1x1xi32>
    %le3A_310 = arith.constant 1023 : i32
    %le3A_311 = arith.cmpi sle, %reduce_sum3A_309, %le3A_310 : i32
    %select_n3A_312 = arith.select %le3A_311, %add3A_301, %select_n3A_299 : i32
    %add3A_313 = arith.constant 128 : i32
    %add3A_314 = arith.addi %select_n3A_312, %add3A_313 : i32
    %lt3A_315 = vector.broadcast %add3A_314 : i32 to vector<32x128xi32>
    %lt3A_316 = arith.cmpi slt, %select_n3A, %lt3A_315 : vector<32x128xi32>
    %convert_element_type3A_317 = arith.extui %lt3A_316 : vector<32x128xi1> to vector<32x128xi32>
    %reduce_sum3A_318 = vector.shape_cast %convert_element_type3A_317 : vector<32x128xi32> to vector<1x32x128xi32>
    %reduce_sum3A_319 = arith.constant dense<0> : vector<1xi32>
    %reduce_sum3A_320 = vector.multi_reduction <add>, %reduce_sum3A_318, %reduce_sum3A_319 [1, 2] : vector<1x32x128xi32> to vector<1xi32>
    %reduce_sum3A_321 = vector.shape_cast %reduce_sum3A_320 : vector<1xi32> to vector<1x1x1xi32>
    %reduce_sum3A_322 = vector.extract %reduce_sum3A_321[0, 0, 0] : i32 from vector<1x1x1xi32>
    %le3A_323 = arith.constant 1023 : i32
    %le3A_324 = arith.cmpi sle, %reduce_sum3A_322, %le3A_323 : i32
    %select_n3A_325 = arith.select %le3A_324, %add3A_314, %select_n3A_312 : i32
    %add3A_326 = arith.constant 64 : i32
    %add3A_327 = arith.addi %select_n3A_325, %add3A_326 : i32
    %lt3A_328 = vector.broadcast %add3A_327 : i32 to vector<32x128xi32>
    %lt3A_329 = arith.cmpi slt, %select_n3A, %lt3A_328 : vector<32x128xi32>
    %convert_element_type3A_330 = arith.extui %lt3A_329 : vector<32x128xi1> to vector<32x128xi32>
    %reduce_sum3A_331 = vector.shape_cast %convert_element_type3A_330 : vector<32x128xi32> to vector<1x32x128xi32>
    %reduce_sum3A_332 = arith.constant dense<0> : vector<1xi32>
    %reduce_sum3A_333 = vector.multi_reduction <add>, %reduce_sum3A_331, %reduce_sum3A_332 [1, 2] : vector<1x32x128xi32> to vector<1xi32>
    %reduce_sum3A_334 = vector.shape_cast %reduce_sum3A_333 : vector<1xi32> to vector<1x1x1xi32>
    %reduce_sum3A_335 = vector.extract %reduce_sum3A_334[0, 0, 0] : i32 from vector<1x1x1xi32>
    %le3A_336 = arith.constant 1023 : i32
    %le3A_337 = arith.cmpi sle, %reduce_sum3A_335, %le3A_336 : i32
    %select_n3A_338 = arith.select %le3A_337, %add3A_327, %select_n3A_325 : i32
    %add3A_339 = arith.constant 32 : i32
    %add3A_340 = arith.addi %select_n3A_338, %add3A_339 : i32
    %lt3A_341 = vector.broadcast %add3A_340 : i32 to vector<32x128xi32>
    %lt3A_342 = arith.cmpi slt, %select_n3A, %lt3A_341 : vector<32x128xi32>
    %convert_element_type3A_343 = arith.extui %lt3A_342 : vector<32x128xi1> to vector<32x128xi32>
    %reduce_sum3A_344 = vector.shape_cast %convert_element_type3A_343 : vector<32x128xi32> to vector<1x32x128xi32>
    %reduce_sum3A_345 = arith.constant dense<0> : vector<1xi32>
    %reduce_sum3A_346 = vector.multi_reduction <add>, %reduce_sum3A_344, %reduce_sum3A_345 [1, 2] : vector<1x32x128xi32> to vector<1xi32>
    %reduce_sum3A_347 = vector.shape_cast %reduce_sum3A_346 : vector<1xi32> to vector<1x1x1xi32>
    %reduce_sum3A_348 = vector.extract %reduce_sum3A_347[0, 0, 0] : i32 from vector<1x1x1xi32>
    %le3A_349 = arith.constant 1023 : i32
    %le3A_350 = arith.cmpi sle, %reduce_sum3A_348, %le3A_349 : i32
    %select_n3A_351 = arith.select %le3A_350, %add3A_340, %select_n3A_338 : i32
    %add3A_352 = arith.constant 16 : i32
    %add3A_353 = arith.addi %select_n3A_351, %add3A_352 : i32
    %lt3A_354 = vector.broadcast %add3A_353 : i32 to vector<32x128xi32>
    %lt3A_355 = arith.cmpi slt, %select_n3A, %lt3A_354 : vector<32x128xi32>
    %convert_element_type3A_356 = arith.extui %lt3A_355 : vector<32x128xi1> to vector<32x128xi32>
    %reduce_sum3A_357 = vector.shape_cast %convert_element_type3A_356 : vector<32x128xi32> to vector<1x32x128xi32>
    %reduce_sum3A_358 = arith.constant dense<0> : vector<1xi32>
    %reduce_sum3A_359 = vector.multi_reduction <add>, %reduce_sum3A_357, %reduce_sum3A_358 [1, 2] : vector<1x32x128xi32> to vector<1xi32>
    %reduce_sum3A_360 = vector.shape_cast %reduce_sum3A_359 : vector<1xi32> to vector<1x1x1xi32>
    %reduce_sum3A_361 = vector.extract %reduce_sum3A_360[0, 0, 0] : i32 from vector<1x1x1xi32>
    %le3A_362 = arith.constant 1023 : i32
    %le3A_363 = arith.cmpi sle, %reduce_sum3A_361, %le3A_362 : i32
    %select_n3A_364 = arith.select %le3A_363, %add3A_353, %select_n3A_351 : i32
    %add3A_365 = arith.constant 8 : i32
    %add3A_366 = arith.addi %select_n3A_364, %add3A_365 : i32
    %lt3A_367 = vector.broadcast %add3A_366 : i32 to vector<32x128xi32>
    %lt3A_368 = arith.cmpi slt, %select_n3A, %lt3A_367 : vector<32x128xi32>
    %convert_element_type3A_369 = arith.extui %lt3A_368 : vector<32x128xi1> to vector<32x128xi32>
    %reduce_sum3A_370 = vector.shape_cast %convert_element_type3A_369 : vector<32x128xi32> to vector<1x32x128xi32>
    %reduce_sum3A_371 = arith.constant dense<0> : vector<1xi32>
    %reduce_sum3A_372 = vector.multi_reduction <add>, %reduce_sum3A_370, %reduce_sum3A_371 [1, 2] : vector<1x32x128xi32> to vector<1xi32>
    %reduce_sum3A_373 = vector.shape_cast %reduce_sum3A_372 : vector<1xi32> to vector<1x1x1xi32>
    %reduce_sum3A_374 = vector.extract %reduce_sum3A_373[0, 0, 0] : i32 from vector<1x1x1xi32>
    %le3A_375 = arith.constant 1023 : i32
    %le3A_376 = arith.cmpi sle, %reduce_sum3A_374, %le3A_375 : i32
    %select_n3A_377 = arith.select %le3A_376, %add3A_366, %select_n3A_364 : i32
    %add3A_378 = arith.constant 4 : i32
    %add3A_379 = arith.addi %select_n3A_377, %add3A_378 : i32
    %lt3A_380 = vector.broadcast %add3A_379 : i32 to vector<32x128xi32>
    %lt3A_381 = arith.cmpi slt, %select_n3A, %lt3A_380 : vector<32x128xi32>
    %convert_element_type3A_382 = arith.extui %lt3A_381 : vector<32x128xi1> to vector<32x128xi32>
    %reduce_sum3A_383 = vector.shape_cast %convert_element_type3A_382 : vector<32x128xi32> to vector<1x32x128xi32>
    %reduce_sum3A_384 = arith.constant dense<0> : vector<1xi32>
    %reduce_sum3A_385 = vector.multi_reduction <add>, %reduce_sum3A_383, %reduce_sum3A_384 [1, 2] : vector<1x32x128xi32> to vector<1xi32>
    %reduce_sum3A_386 = vector.shape_cast %reduce_sum3A_385 : vector<1xi32> to vector<1x1x1xi32>
    %reduce_sum3A_387 = vector.extract %reduce_sum3A_386[0, 0, 0] : i32 from vector<1x1x1xi32>
    %le3A_388 = arith.constant 1023 : i32
    %le3A_389 = arith.cmpi sle, %reduce_sum3A_387, %le3A_388 : i32
    %select_n3A_390 = arith.select %le3A_389, %add3A_379, %select_n3A_377 : i32
    %add3A_391 = arith.constant 2 : i32
    %add3A_392 = arith.addi %select_n3A_390, %add3A_391 : i32
    %lt3A_393 = vector.broadcast %add3A_392 : i32 to vector<32x128xi32>
    %lt3A_394 = arith.cmpi slt, %select_n3A, %lt3A_393 : vector<32x128xi32>
    %convert_element_type3A_395 = arith.extui %lt3A_394 : vector<32x128xi1> to vector<32x128xi32>
    %reduce_sum3A_396 = vector.shape_cast %convert_element_type3A_395 : vector<32x128xi32> to vector<1x32x128xi32>
    %reduce_sum3A_397 = arith.constant dense<0> : vector<1xi32>
    %reduce_sum3A_398 = vector.multi_reduction <add>, %reduce_sum3A_396, %reduce_sum3A_397 [1, 2] : vector<1x32x128xi32> to vector<1xi32>
    %reduce_sum3A_399 = vector.shape_cast %reduce_sum3A_398 : vector<1xi32> to vector<1x1x1xi32>
    %reduce_sum3A_400 = vector.extract %reduce_sum3A_399[0, 0, 0] : i32 from vector<1x1x1xi32>
    %le3A_401 = arith.constant 1023 : i32
    %le3A_402 = arith.cmpi sle, %reduce_sum3A_400, %le3A_401 : i32
    %select_n3A_403 = arith.select %le3A_402, %add3A_392, %select_n3A_390 : i32
    %add3A_404 = arith.constant 1 : i32
    %add3A_405 = arith.addi %select_n3A_403, %add3A_404 : i32
    %lt3A_406 = vector.broadcast %add3A_405 : i32 to vector<32x128xi32>
    %lt3A_407 = arith.cmpi slt, %select_n3A, %lt3A_406 : vector<32x128xi32>
    %convert_element_type3A_408 = arith.extui %lt3A_407 : vector<32x128xi1> to vector<32x128xi32>
    %reduce_sum3A_409 = vector.shape_cast %convert_element_type3A_408 : vector<32x128xi32> to vector<1x32x128xi32>
    %reduce_sum3A_410 = arith.constant dense<0> : vector<1xi32>
    %reduce_sum3A_411 = vector.multi_reduction <add>, %reduce_sum3A_409, %reduce_sum3A_410 [1, 2] : vector<1x32x128xi32> to vector<1xi32>
    %reduce_sum3A_412 = vector.shape_cast %reduce_sum3A_411 : vector<1xi32> to vector<1x1x1xi32>
    %reduce_sum3A_413 = vector.extract %reduce_sum3A_412[0, 0, 0] : i32 from vector<1x1x1xi32>
    %le3A_414 = arith.constant 1023 : i32
    %le3A_415 = arith.cmpi sle, %reduce_sum3A_413, %le3A_414 : i32
    %select_n3A_416 = arith.select %le3A_415, %add3A_405, %select_n3A_403 : i32
    %ge3A_417 = arith.constant 0 : i32
    %ge3A_418 = arith.cmpi sge, %select_n3A_416, %ge3A_417 : i32
    %sub3A_419 = arith.constant -2147483648 : i32
    %sub3A_420 = arith.subi %sub3A_419, %select_n3A_416 : i32
    %select_n3A_421 = arith.select %ge3A_418, %select_n3A_416, %sub3A_420 : i32
    %bitcast_convert_type3A_422 = arith.bitcast %select_n3A_421 : i32 to f32
    %lt3A_423 = arith.constant 0 : i32
    %lt3A_424 = vector.broadcast %lt3A_423 : i32 to vector<32x128xi32>
    %lt3A_425 = arith.cmpi slt, %select_n3A, %lt3A_424 : vector<32x128xi32>
    %convert_element_type3A_426 = arith.extui %lt3A_425 : vector<32x128xi1> to vector<32x128xi32>
    %reduce_sum3A_427 = vector.shape_cast %convert_element_type3A_426 : vector<32x128xi32> to vector<1x32x128xi32>
    %reduce_sum3A_428 = arith.constant dense<0> : vector<1xi32>
    %reduce_sum3A_429 = vector.multi_reduction <add>, %reduce_sum3A_427, %reduce_sum3A_428 [1, 2] : vector<1x32x128xi32> to vector<1xi32>
    %reduce_sum3A_430 = vector.shape_cast %reduce_sum3A_429 : vector<1xi32> to vector<1x1x1xi32>
    %reduce_sum3A_431 = vector.extract %reduce_sum3A_430[0, 0, 0] : i32 from vector<1x1x1xi32>
    %le3A_432 = arith.constant 1024 : i32
    %le3A_433 = arith.cmpi sle, %reduce_sum3A_431, %le3A_432 : i32
    %jit3A_434 = arith.constant 0 : i32
    %jit3A_435 = arith.constant -2147483648 : i32
    %select_n3A_436 = arith.select %le3A_433, %jit3A_434, %jit3A_435 : i32
    %add3A_437 = arith.constant 1073741824 : i32
    %add3A_438 = arith.addi %select_n3A_436, %add3A_437 : i32
    %lt3A_439 = vector.broadcast %add3A_438 : i32 to vector<32x128xi32>
    %lt3A_440 = arith.cmpi slt, %select_n3A, %lt3A_439 : vector<32x128xi32>
    %convert_element_type3A_441 = arith.extui %lt3A_440 : vector<32x128xi1> to vector<32x128xi32>
    %reduce_sum3A_442 = vector.shape_cast %convert_element_type3A_441 : vector<32x128xi32> to vector<1x32x128xi32>
    %reduce_sum3A_443 = arith.constant dense<0> : vector<1xi32>
    %reduce_sum3A_444 = vector.multi_reduction <add>, %reduce_sum3A_442, %reduce_sum3A_443 [1, 2] : vector<1x32x128xi32> to vector<1xi32>
    %reduce_sum3A_445 = vector.shape_cast %reduce_sum3A_444 : vector<1xi32> to vector<1x1x1xi32>
    %reduce_sum3A_446 = vector.extract %reduce_sum3A_445[0, 0, 0] : i32 from vector<1x1x1xi32>
    %le3A_447 = arith.constant 1024 : i32
    %le3A_448 = arith.cmpi sle, %reduce_sum3A_446, %le3A_447 : i32
    %select_n3A_449 = arith.select %le3A_448, %add3A_438, %select_n3A_436 : i32
    %add3A_450 = arith.constant 536870912 : i32
    %add3A_451 = arith.addi %select_n3A_449, %add3A_450 : i32
    %lt3A_452 = vector.broadcast %add3A_451 : i32 to vector<32x128xi32>
    %lt3A_453 = arith.cmpi slt, %select_n3A, %lt3A_452 : vector<32x128xi32>
    %convert_element_type3A_454 = arith.extui %lt3A_453 : vector<32x128xi1> to vector<32x128xi32>
    %reduce_sum3A_455 = vector.shape_cast %convert_element_type3A_454 : vector<32x128xi32> to vector<1x32x128xi32>
    %reduce_sum3A_456 = arith.constant dense<0> : vector<1xi32>
    %reduce_sum3A_457 = vector.multi_reduction <add>, %reduce_sum3A_455, %reduce_sum3A_456 [1, 2] : vector<1x32x128xi32> to vector<1xi32>
    %reduce_sum3A_458 = vector.shape_cast %reduce_sum3A_457 : vector<1xi32> to vector<1x1x1xi32>
    %reduce_sum3A_459 = vector.extract %reduce_sum3A_458[0, 0, 0] : i32 from vector<1x1x1xi32>
    %le3A_460 = arith.constant 1024 : i32
    %le3A_461 = arith.cmpi sle, %reduce_sum3A_459, %le3A_460 : i32
    %select_n3A_462 = arith.select %le3A_461, %add3A_451, %select_n3A_449 : i32
    %add3A_463 = arith.constant 268435456 : i32
    %add3A_464 = arith.addi %select_n3A_462, %add3A_463 : i32
    %lt3A_465 = vector.broadcast %add3A_464 : i32 to vector<32x128xi32>
    %lt3A_466 = arith.cmpi slt, %select_n3A, %lt3A_465 : vector<32x128xi32>
    %convert_element_type3A_467 = arith.extui %lt3A_466 : vector<32x128xi1> to vector<32x128xi32>
    %reduce_sum3A_468 = vector.shape_cast %convert_element_type3A_467 : vector<32x128xi32> to vector<1x32x128xi32>
    %reduce_sum3A_469 = arith.constant dense<0> : vector<1xi32>
    %reduce_sum3A_470 = vector.multi_reduction <add>, %reduce_sum3A_468, %reduce_sum3A_469 [1, 2] : vector<1x32x128xi32> to vector<1xi32>
    %reduce_sum3A_471 = vector.shape_cast %reduce_sum3A_470 : vector<1xi32> to vector<1x1x1xi32>
    %reduce_sum3A_472 = vector.extract %reduce_sum3A_471[0, 0, 0] : i32 from vector<1x1x1xi32>
    %le3A_473 = arith.constant 1024 : i32
    %le3A_474 = arith.cmpi sle, %reduce_sum3A_472, %le3A_473 : i32
    %select_n3A_475 = arith.select %le3A_474, %add3A_464, %select_n3A_462 : i32
    %add3A_476 = arith.constant 134217728 : i32
    %add3A_477 = arith.addi %select_n3A_475, %add3A_476 : i32
    %lt3A_478 = vector.broadcast %add3A_477 : i32 to vector<32x128xi32>
    %lt3A_479 = arith.cmpi slt, %select_n3A, %lt3A_478 : vector<32x128xi32>
    %convert_element_type3A_480 = arith.extui %lt3A_479 : vector<32x128xi1> to vector<32x128xi32>
    %reduce_sum3A_481 = vector.shape_cast %convert_element_type3A_480 : vector<32x128xi32> to vector<1x32x128xi32>
    %reduce_sum3A_482 = arith.constant dense<0> : vector<1xi32>
    %reduce_sum3A_483 = vector.multi_reduction <add>, %reduce_sum3A_481, %reduce_sum3A_482 [1, 2] : vector<1x32x128xi32> to vector<1xi32>
    %reduce_sum3A_484 = vector.shape_cast %reduce_sum3A_483 : vector<1xi32> to vector<1x1x1xi32>
    %reduce_sum3A_485 = vector.extract %reduce_sum3A_484[0, 0, 0] : i32 from vector<1x1x1xi32>
    %le3A_486 = arith.constant 1024 : i32
    %le3A_487 = arith.cmpi sle, %reduce_sum3A_485, %le3A_486 : i32
    %select_n3A_488 = arith.select %le3A_487, %add3A_477, %select_n3A_475 : i32
    %add3A_489 = arith.constant 67108864 : i32
    %add3A_490 = arith.addi %select_n3A_488, %add3A_489 : i32
    %lt3A_491 = vector.broadcast %add3A_490 : i32 to vector<32x128xi32>
    %lt3A_492 = arith.cmpi slt, %select_n3A, %lt3A_491 : vector<32x128xi32>
    %convert_element_type3A_493 = arith.extui %lt3A_492 : vector<32x128xi1> to vector<32x128xi32>
    %reduce_sum3A_494 = vector.shape_cast %convert_element_type3A_493 : vector<32x128xi32> to vector<1x32x128xi32>
    %reduce_sum3A_495 = arith.constant dense<0> : vector<1xi32>
    %reduce_sum3A_496 = vector.multi_reduction <add>, %reduce_sum3A_494, %reduce_sum3A_495 [1, 2] : vector<1x32x128xi32> to vector<1xi32>
    %reduce_sum3A_497 = vector.shape_cast %reduce_sum3A_496 : vector<1xi32> to vector<1x1x1xi32>
    %reduce_sum3A_498 = vector.extract %reduce_sum3A_497[0, 0, 0] : i32 from vector<1x1x1xi32>
    %le3A_499 = arith.constant 1024 : i32
    %le3A_500 = arith.cmpi sle, %reduce_sum3A_498, %le3A_499 : i32
    %select_n3A_501 = arith.select %le3A_500, %add3A_490, %select_n3A_488 : i32
    %add3A_502 = arith.constant 33554432 : i32
    %add3A_503 = arith.addi %select_n3A_501, %add3A_502 : i32
    %lt3A_504 = vector.broadcast %add3A_503 : i32 to vector<32x128xi32>
    %lt3A_505 = arith.cmpi slt, %select_n3A, %lt3A_504 : vector<32x128xi32>
    %convert_element_type3A_506 = arith.extui %lt3A_505 : vector<32x128xi1> to vector<32x128xi32>
    %reduce_sum3A_507 = vector.shape_cast %convert_element_type3A_506 : vector<32x128xi32> to vector<1x32x128xi32>
    %reduce_sum3A_508 = arith.constant dense<0> : vector<1xi32>
    %reduce_sum3A_509 = vector.multi_reduction <add>, %reduce_sum3A_507, %reduce_sum3A_508 [1, 2] : vector<1x32x128xi32> to vector<1xi32>
    %reduce_sum3A_510 = vector.shape_cast %reduce_sum3A_509 : vector<1xi32> to vector<1x1x1xi32>
    %reduce_sum3A_511 = vector.extract %reduce_sum3A_510[0, 0, 0] : i32 from vector<1x1x1xi32>
    %le3A_512 = arith.constant 1024 : i32
    %le3A_513 = arith.cmpi sle, %reduce_sum3A_511, %le3A_512 : i32
    %select_n3A_514 = arith.select %le3A_513, %add3A_503, %select_n3A_501 : i32
    %add3A_515 = arith.constant 16777216 : i32
    %add3A_516 = arith.addi %select_n3A_514, %add3A_515 : i32
    %lt3A_517 = vector.broadcast %add3A_516 : i32 to vector<32x128xi32>
    %lt3A_518 = arith.cmpi slt, %select_n3A, %lt3A_517 : vector<32x128xi32>
    %convert_element_type3A_519 = arith.extui %lt3A_518 : vector<32x128xi1> to vector<32x128xi32>
    %reduce_sum3A_520 = vector.shape_cast %convert_element_type3A_519 : vector<32x128xi32> to vector<1x32x128xi32>
    %reduce_sum3A_521 = arith.constant dense<0> : vector<1xi32>
    %reduce_sum3A_522 = vector.multi_reduction <add>, %reduce_sum3A_520, %reduce_sum3A_521 [1, 2] : vector<1x32x128xi32> to vector<1xi32>
    %reduce_sum3A_523 = vector.shape_cast %reduce_sum3A_522 : vector<1xi32> to vector<1x1x1xi32>
    %reduce_sum3A_524 = vector.extract %reduce_sum3A_523[0, 0, 0] : i32 from vector<1x1x1xi32>
    %le3A_525 = arith.constant 1024 : i32
    %le3A_526 = arith.cmpi sle, %reduce_sum3A_524, %le3A_525 : i32
    %select_n3A_527 = arith.select %le3A_526, %add3A_516, %select_n3A_514 : i32
    %add3A_528 = arith.constant 8388608 : i32
    %add3A_529 = arith.addi %select_n3A_527, %add3A_528 : i32
    %lt3A_530 = vector.broadcast %add3A_529 : i32 to vector<32x128xi32>
    %lt3A_531 = arith.cmpi slt, %select_n3A, %lt3A_530 : vector<32x128xi32>
    %convert_element_type3A_532 = arith.extui %lt3A_531 : vector<32x128xi1> to vector<32x128xi32>
    %reduce_sum3A_533 = vector.shape_cast %convert_element_type3A_532 : vector<32x128xi32> to vector<1x32x128xi32>
    %reduce_sum3A_534 = arith.constant dense<0> : vector<1xi32>
    %reduce_sum3A_535 = vector.multi_reduction <add>, %reduce_sum3A_533, %reduce_sum3A_534 [1, 2] : vector<1x32x128xi32> to vector<1xi32>
    %reduce_sum3A_536 = vector.shape_cast %reduce_sum3A_535 : vector<1xi32> to vector<1x1x1xi32>
    %reduce_sum3A_537 = vector.extract %reduce_sum3A_536[0, 0, 0] : i32 from vector<1x1x1xi32>
    %le3A_538 = arith.constant 1024 : i32
    %le3A_539 = arith.cmpi sle, %reduce_sum3A_537, %le3A_538 : i32
    %select_n3A_540 = arith.select %le3A_539, %add3A_529, %select_n3A_527 : i32
    %add3A_541 = arith.constant 4194304 : i32
    %add3A_542 = arith.addi %select_n3A_540, %add3A_541 : i32
    %lt3A_543 = vector.broadcast %add3A_542 : i32 to vector<32x128xi32>
    %lt3A_544 = arith.cmpi slt, %select_n3A, %lt3A_543 : vector<32x128xi32>
    %convert_element_type3A_545 = arith.extui %lt3A_544 : vector<32x128xi1> to vector<32x128xi32>
    %reduce_sum3A_546 = vector.shape_cast %convert_element_type3A_545 : vector<32x128xi32> to vector<1x32x128xi32>
    %reduce_sum3A_547 = arith.constant dense<0> : vector<1xi32>
    %reduce_sum3A_548 = vector.multi_reduction <add>, %reduce_sum3A_546, %reduce_sum3A_547 [1, 2] : vector<1x32x128xi32> to vector<1xi32>
    %reduce_sum3A_549 = vector.shape_cast %reduce_sum3A_548 : vector<1xi32> to vector<1x1x1xi32>
    %reduce_sum3A_550 = vector.extract %reduce_sum3A_549[0, 0, 0] : i32 from vector<1x1x1xi32>
    %le3A_551 = arith.constant 1024 : i32
    %le3A_552 = arith.cmpi sle, %reduce_sum3A_550, %le3A_551 : i32
    %select_n3A_553 = arith.select %le3A_552, %add3A_542, %select_n3A_540 : i32
    %add3A_554 = arith.constant 2097152 : i32
    %add3A_555 = arith.addi %select_n3A_553, %add3A_554 : i32
    %lt3A_556 = vector.broadcast %add3A_555 : i32 to vector<32x128xi32>
    %lt3A_557 = arith.cmpi slt, %select_n3A, %lt3A_556 : vector<32x128xi32>
    %convert_element_type3A_558 = arith.extui %lt3A_557 : vector<32x128xi1> to vector<32x128xi32>
    %reduce_sum3A_559 = vector.shape_cast %convert_element_type3A_558 : vector<32x128xi32> to vector<1x32x128xi32>
    %reduce_sum3A_560 = arith.constant dense<0> : vector<1xi32>
    %reduce_sum3A_561 = vector.multi_reduction <add>, %reduce_sum3A_559, %reduce_sum3A_560 [1, 2] : vector<1x32x128xi32> to vector<1xi32>
    %reduce_sum3A_562 = vector.shape_cast %reduce_sum3A_561 : vector<1xi32> to vector<1x1x1xi32>
    %reduce_sum3A_563 = vector.extract %reduce_sum3A_562[0, 0, 0] : i32 from vector<1x1x1xi32>
    %le3A_564 = arith.constant 1024 : i32
    %le3A_565 = arith.cmpi sle, %reduce_sum3A_563, %le3A_564 : i32
    %select_n3A_566 = arith.select %le3A_565, %add3A_555, %select_n3A_553 : i32
    %add3A_567 = arith.constant 1048576 : i32
    %add3A_568 = arith.addi %select_n3A_566, %add3A_567 : i32
    %lt3A_569 = vector.broadcast %add3A_568 : i32 to vector<32x128xi32>
    %lt3A_570 = arith.cmpi slt, %select_n3A, %lt3A_569 : vector<32x128xi32>
    %convert_element_type3A_571 = arith.extui %lt3A_570 : vector<32x128xi1> to vector<32x128xi32>
    %reduce_sum3A_572 = vector.shape_cast %convert_element_type3A_571 : vector<32x128xi32> to vector<1x32x128xi32>
    %reduce_sum3A_573 = arith.constant dense<0> : vector<1xi32>
    %reduce_sum3A_574 = vector.multi_reduction <add>, %reduce_sum3A_572, %reduce_sum3A_573 [1, 2] : vector<1x32x128xi32> to vector<1xi32>
    %reduce_sum3A_575 = vector.shape_cast %reduce_sum3A_574 : vector<1xi32> to vector<1x1x1xi32>
    %reduce_sum3A_576 = vector.extract %reduce_sum3A_575[0, 0, 0] : i32 from vector<1x1x1xi32>
    %le3A_577 = arith.constant 1024 : i32
    %le3A_578 = arith.cmpi sle, %reduce_sum3A_576, %le3A_577 : i32
    %select_n3A_579 = arith.select %le3A_578, %add3A_568, %select_n3A_566 : i32
    %add3A_580 = arith.constant 524288 : i32
    %add3A_581 = arith.addi %select_n3A_579, %add3A_580 : i32
    %lt3A_582 = vector.broadcast %add3A_581 : i32 to vector<32x128xi32>
    %lt3A_583 = arith.cmpi slt, %select_n3A, %lt3A_582 : vector<32x128xi32>
    %convert_element_type3A_584 = arith.extui %lt3A_583 : vector<32x128xi1> to vector<32x128xi32>
    %reduce_sum3A_585 = vector.shape_cast %convert_element_type3A_584 : vector<32x128xi32> to vector<1x32x128xi32>
    %reduce_sum3A_586 = arith.constant dense<0> : vector<1xi32>
    %reduce_sum3A_587 = vector.multi_reduction <add>, %reduce_sum3A_585, %reduce_sum3A_586 [1, 2] : vector<1x32x128xi32> to vector<1xi32>
    %reduce_sum3A_588 = vector.shape_cast %reduce_sum3A_587 : vector<1xi32> to vector<1x1x1xi32>
    %reduce_sum3A_589 = vector.extract %reduce_sum3A_588[0, 0, 0] : i32 from vector<1x1x1xi32>
    %le3A_590 = arith.constant 1024 : i32
    %le3A_591 = arith.cmpi sle, %reduce_sum3A_589, %le3A_590 : i32
    %select_n3A_592 = arith.select %le3A_591, %add3A_581, %select_n3A_579 : i32
    %add3A_593 = arith.constant 262144 : i32
    %add3A_594 = arith.addi %select_n3A_592, %add3A_593 : i32
    %lt3A_595 = vector.broadcast %add3A_594 : i32 to vector<32x128xi32>
    %lt3A_596 = arith.cmpi slt, %select_n3A, %lt3A_595 : vector<32x128xi32>
    %convert_element_type3A_597 = arith.extui %lt3A_596 : vector<32x128xi1> to vector<32x128xi32>
    %reduce_sum3A_598 = vector.shape_cast %convert_element_type3A_597 : vector<32x128xi32> to vector<1x32x128xi32>
    %reduce_sum3A_599 = arith.constant dense<0> : vector<1xi32>
    %reduce_sum3A_600 = vector.multi_reduction <add>, %reduce_sum3A_598, %reduce_sum3A_599 [1, 2] : vector<1x32x128xi32> to vector<1xi32>
    %reduce_sum3A_601 = vector.shape_cast %reduce_sum3A_600 : vector<1xi32> to vector<1x1x1xi32>
    %reduce_sum3A_602 = vector.extract %reduce_sum3A_601[0, 0, 0] : i32 from vector<1x1x1xi32>
    %le3A_603 = arith.constant 1024 : i32
    %le3A_604 = arith.cmpi sle, %reduce_sum3A_602, %le3A_603 : i32
    %select_n3A_605 = arith.select %le3A_604, %add3A_594, %select_n3A_592 : i32
    %add3A_606 = arith.constant 131072 : i32
    %add3A_607 = arith.addi %select_n3A_605, %add3A_606 : i32
    %lt3A_608 = vector.broadcast %add3A_607 : i32 to vector<32x128xi32>
    %lt3A_609 = arith.cmpi slt, %select_n3A, %lt3A_608 : vector<32x128xi32>
    %convert_element_type3A_610 = arith.extui %lt3A_609 : vector<32x128xi1> to vector<32x128xi32>
    %reduce_sum3A_611 = vector.shape_cast %convert_element_type3A_610 : vector<32x128xi32> to vector<1x32x128xi32>
    %reduce_sum3A_612 = arith.constant dense<0> : vector<1xi32>
    %reduce_sum3A_613 = vector.multi_reduction <add>, %reduce_sum3A_611, %reduce_sum3A_612 [1, 2] : vector<1x32x128xi32> to vector<1xi32>
    %reduce_sum3A_614 = vector.shape_cast %reduce_sum3A_613 : vector<1xi32> to vector<1x1x1xi32>
    %reduce_sum3A_615 = vector.extract %reduce_sum3A_614[0, 0, 0] : i32 from vector<1x1x1xi32>
    %le3A_616 = arith.constant 1024 : i32
    %le3A_617 = arith.cmpi sle, %reduce_sum3A_615, %le3A_616 : i32
    %select_n3A_618 = arith.select %le3A_617, %add3A_607, %select_n3A_605 : i32
    %add3A_619 = arith.constant 65536 : i32
    %add3A_620 = arith.addi %select_n3A_618, %add3A_619 : i32
    %lt3A_621 = vector.broadcast %add3A_620 : i32 to vector<32x128xi32>
    %lt3A_622 = arith.cmpi slt, %select_n3A, %lt3A_621 : vector<32x128xi32>
    %convert_element_type3A_623 = arith.extui %lt3A_622 : vector<32x128xi1> to vector<32x128xi32>
    %reduce_sum3A_624 = vector.shape_cast %convert_element_type3A_623 : vector<32x128xi32> to vector<1x32x128xi32>
    %reduce_sum3A_625 = arith.constant dense<0> : vector<1xi32>
    %reduce_sum3A_626 = vector.multi_reduction <add>, %reduce_sum3A_624, %reduce_sum3A_625 [1, 2] : vector<1x32x128xi32> to vector<1xi32>
    %reduce_sum3A_627 = vector.shape_cast %reduce_sum3A_626 : vector<1xi32> to vector<1x1x1xi32>
    %reduce_sum3A_628 = vector.extract %reduce_sum3A_627[0, 0, 0] : i32 from vector<1x1x1xi32>
    %le3A_629 = arith.constant 1024 : i32
    %le3A_630 = arith.cmpi sle, %reduce_sum3A_628, %le3A_629 : i32
    %select_n3A_631 = arith.select %le3A_630, %add3A_620, %select_n3A_618 : i32
    %add3A_632 = arith.constant 32768 : i32
    %add3A_633 = arith.addi %select_n3A_631, %add3A_632 : i32
    %lt3A_634 = vector.broadcast %add3A_633 : i32 to vector<32x128xi32>
    %lt3A_635 = arith.cmpi slt, %select_n3A, %lt3A_634 : vector<32x128xi32>
    %convert_element_type3A_636 = arith.extui %lt3A_635 : vector<32x128xi1> to vector<32x128xi32>
    %reduce_sum3A_637 = vector.shape_cast %convert_element_type3A_636 : vector<32x128xi32> to vector<1x32x128xi32>
    %reduce_sum3A_638 = arith.constant dense<0> : vector<1xi32>
    %reduce_sum3A_639 = vector.multi_reduction <add>, %reduce_sum3A_637, %reduce_sum3A_638 [1, 2] : vector<1x32x128xi32> to vector<1xi32>
    %reduce_sum3A_640 = vector.shape_cast %reduce_sum3A_639 : vector<1xi32> to vector<1x1x1xi32>
    %reduce_sum3A_641 = vector.extract %reduce_sum3A_640[0, 0, 0] : i32 from vector<1x1x1xi32>
    %le3A_642 = arith.constant 1024 : i32
    %le3A_643 = arith.cmpi sle, %reduce_sum3A_641, %le3A_642 : i32
    %select_n3A_644 = arith.select %le3A_643, %add3A_633, %select_n3A_631 : i32
    %add3A_645 = arith.constant 16384 : i32
    %add3A_646 = arith.addi %select_n3A_644, %add3A_645 : i32
    %lt3A_647 = vector.broadcast %add3A_646 : i32 to vector<32x128xi32>
    %lt3A_648 = arith.cmpi slt, %select_n3A, %lt3A_647 : vector<32x128xi32>
    %convert_element_type3A_649 = arith.extui %lt3A_648 : vector<32x128xi1> to vector<32x128xi32>
    %reduce_sum3A_650 = vector.shape_cast %convert_element_type3A_649 : vector<32x128xi32> to vector<1x32x128xi32>
    %reduce_sum3A_651 = arith.constant dense<0> : vector<1xi32>
    %reduce_sum3A_652 = vector.multi_reduction <add>, %reduce_sum3A_650, %reduce_sum3A_651 [1, 2] : vector<1x32x128xi32> to vector<1xi32>
    %reduce_sum3A_653 = vector.shape_cast %reduce_sum3A_652 : vector<1xi32> to vector<1x1x1xi32>
    %reduce_sum3A_654 = vector.extract %reduce_sum3A_653[0, 0, 0] : i32 from vector<1x1x1xi32>
    %le3A_655 = arith.constant 1024 : i32
    %le3A_656 = arith.cmpi sle, %reduce_sum3A_654, %le3A_655 : i32
    %select_n3A_657 = arith.select %le3A_656, %add3A_646, %select_n3A_644 : i32
    %add3A_658 = arith.constant 8192 : i32
    %add3A_659 = arith.addi %select_n3A_657, %add3A_658 : i32
    %lt3A_660 = vector.broadcast %add3A_659 : i32 to vector<32x128xi32>
    %lt3A_661 = arith.cmpi slt, %select_n3A, %lt3A_660 : vector<32x128xi32>
    %convert_element_type3A_662 = arith.extui %lt3A_661 : vector<32x128xi1> to vector<32x128xi32>
    %reduce_sum3A_663 = vector.shape_cast %convert_element_type3A_662 : vector<32x128xi32> to vector<1x32x128xi32>
    %reduce_sum3A_664 = arith.constant dense<0> : vector<1xi32>
    %reduce_sum3A_665 = vector.multi_reduction <add>, %reduce_sum3A_663, %reduce_sum3A_664 [1, 2] : vector<1x32x128xi32> to vector<1xi32>
    %reduce_sum3A_666 = vector.shape_cast %reduce_sum3A_665 : vector<1xi32> to vector<1x1x1xi32>
    %reduce_sum3A_667 = vector.extract %reduce_sum3A_666[0, 0, 0] : i32 from vector<1x1x1xi32>
    %le3A_668 = arith.constant 1024 : i32
    %le3A_669 = arith.cmpi sle, %reduce_sum3A_667, %le3A_668 : i32
    %select_n3A_670 = arith.select %le3A_669, %add3A_659, %select_n3A_657 : i32
    %add3A_671 = arith.constant 4096 : i32
    %add3A_672 = arith.addi %select_n3A_670, %add3A_671 : i32
    %lt3A_673 = vector.broadcast %add3A_672 : i32 to vector<32x128xi32>
    %lt3A_674 = arith.cmpi slt, %select_n3A, %lt3A_673 : vector<32x128xi32>
    %convert_element_type3A_675 = arith.extui %lt3A_674 : vector<32x128xi1> to vector<32x128xi32>
    %reduce_sum3A_676 = vector.shape_cast %convert_element_type3A_675 : vector<32x128xi32> to vector<1x32x128xi32>
    %reduce_sum3A_677 = arith.constant dense<0> : vector<1xi32>
    %reduce_sum3A_678 = vector.multi_reduction <add>, %reduce_sum3A_676, %reduce_sum3A_677 [1, 2] : vector<1x32x128xi32> to vector<1xi32>
    %reduce_sum3A_679 = vector.shape_cast %reduce_sum3A_678 : vector<1xi32> to vector<1x1x1xi32>
    %reduce_sum3A_680 = vector.extract %reduce_sum3A_679[0, 0, 0] : i32 from vector<1x1x1xi32>
    %le3A_681 = arith.constant 1024 : i32
    %le3A_682 = arith.cmpi sle, %reduce_sum3A_680, %le3A_681 : i32
    %select_n3A_683 = arith.select %le3A_682, %add3A_672, %select_n3A_670 : i32
    %add3A_684 = arith.constant 2048 : i32
    %add3A_685 = arith.addi %select_n3A_683, %add3A_684 : i32
    %lt3A_686 = vector.broadcast %add3A_685 : i32 to vector<32x128xi32>
    %lt3A_687 = arith.cmpi slt, %select_n3A, %lt3A_686 : vector<32x128xi32>
    %convert_element_type3A_688 = arith.extui %lt3A_687 : vector<32x128xi1> to vector<32x128xi32>
    %reduce_sum3A_689 = vector.shape_cast %convert_element_type3A_688 : vector<32x128xi32> to vector<1x32x128xi32>
    %reduce_sum3A_690 = arith.constant dense<0> : vector<1xi32>
    %reduce_sum3A_691 = vector.multi_reduction <add>, %reduce_sum3A_689, %reduce_sum3A_690 [1, 2] : vector<1x32x128xi32> to vector<1xi32>
    %reduce_sum3A_692 = vector.shape_cast %reduce_sum3A_691 : vector<1xi32> to vector<1x1x1xi32>
    %reduce_sum3A_693 = vector.extract %reduce_sum3A_692[0, 0, 0] : i32 from vector<1x1x1xi32>
    %le3A_694 = arith.constant 1024 : i32
    %le3A_695 = arith.cmpi sle, %reduce_sum3A_693, %le3A_694 : i32
    %select_n3A_696 = arith.select %le3A_695, %add3A_685, %select_n3A_683 : i32
    %add3A_697 = arith.constant 1024 : i32
    %add3A_698 = arith.addi %select_n3A_696, %add3A_697 : i32
    %lt3A_699 = vector.broadcast %add3A_698 : i32 to vector<32x128xi32>
    %lt3A_700 = arith.cmpi slt, %select_n3A, %lt3A_699 : vector<32x128xi32>
    %convert_element_type3A_701 = arith.extui %lt3A_700 : vector<32x128xi1> to vector<32x128xi32>
    %reduce_sum3A_702 = vector.shape_cast %convert_element_type3A_701 : vector<32x128xi32> to vector<1x32x128xi32>
    %reduce_sum3A_703 = arith.constant dense<0> : vector<1xi32>
    %reduce_sum3A_704 = vector.multi_reduction <add>, %reduce_sum3A_702, %reduce_sum3A_703 [1, 2] : vector<1x32x128xi32> to vector<1xi32>
    %reduce_sum3A_705 = vector.shape_cast %reduce_sum3A_704 : vector<1xi32> to vector<1x1x1xi32>
    %reduce_sum3A_706 = vector.extract %reduce_sum3A_705[0, 0, 0] : i32 from vector<1x1x1xi32>
    %le3A_707 = arith.constant 1024 : i32
    %le3A_708 = arith.cmpi sle, %reduce_sum3A_706, %le3A_707 : i32
    %select_n3A_709 = arith.select %le3A_708, %add3A_698, %select_n3A_696 : i32
    %add3A_710 = arith.constant 512 : i32
    %add3A_711 = arith.addi %select_n3A_709, %add3A_710 : i32
    %lt3A_712 = vector.broadcast %add3A_711 : i32 to vector<32x128xi32>
    %lt3A_713 = arith.cmpi slt, %select_n3A, %lt3A_712 : vector<32x128xi32>
    %convert_element_type3A_714 = arith.extui %lt3A_713 : vector<32x128xi1> to vector<32x128xi32>
    %reduce_sum3A_715 = vector.shape_cast %convert_element_type3A_714 : vector<32x128xi32> to vector<1x32x128xi32>
    %reduce_sum3A_716 = arith.constant dense<0> : vector<1xi32>
    %reduce_sum3A_717 = vector.multi_reduction <add>, %reduce_sum3A_715, %reduce_sum3A_716 [1, 2] : vector<1x32x128xi32> to vector<1xi32>
    %reduce_sum3A_718 = vector.shape_cast %reduce_sum3A_717 : vector<1xi32> to vector<1x1x1xi32>
    %reduce_sum3A_719 = vector.extract %reduce_sum3A_718[0, 0, 0] : i32 from vector<1x1x1xi32>
    %le3A_720 = arith.constant 1024 : i32
    %le3A_721 = arith.cmpi sle, %reduce_sum3A_719, %le3A_720 : i32
    %select_n3A_722 = arith.select %le3A_721, %add3A_711, %select_n3A_709 : i32
    %add3A_723 = arith.constant 256 : i32
    %add3A_724 = arith.addi %select_n3A_722, %add3A_723 : i32
    %lt3A_725 = vector.broadcast %add3A_724 : i32 to vector<32x128xi32>
    %lt3A_726 = arith.cmpi slt, %select_n3A, %lt3A_725 : vector<32x128xi32>
    %convert_element_type3A_727 = arith.extui %lt3A_726 : vector<32x128xi1> to vector<32x128xi32>
    %reduce_sum3A_728 = vector.shape_cast %convert_element_type3A_727 : vector<32x128xi32> to vector<1x32x128xi32>
    %reduce_sum3A_729 = arith.constant dense<0> : vector<1xi32>
    %reduce_sum3A_730 = vector.multi_reduction <add>, %reduce_sum3A_728, %reduce_sum3A_729 [1, 2] : vector<1x32x128xi32> to vector<1xi32>
    %reduce_sum3A_731 = vector.shape_cast %reduce_sum3A_730 : vector<1xi32> to vector<1x1x1xi32>
    %reduce_sum3A_732 = vector.extract %reduce_sum3A_731[0, 0, 0] : i32 from vector<1x1x1xi32>
    %le3A_733 = arith.constant 1024 : i32
    %le3A_734 = arith.cmpi sle, %reduce_sum3A_732, %le3A_733 : i32
    %select_n3A_735 = arith.select %le3A_734, %add3A_724, %select_n3A_722 : i32
    %add3A_736 = arith.constant 128 : i32
    %add3A_737 = arith.addi %select_n3A_735, %add3A_736 : i32
    %lt3A_738 = vector.broadcast %add3A_737 : i32 to vector<32x128xi32>
    %lt3A_739 = arith.cmpi slt, %select_n3A, %lt3A_738 : vector<32x128xi32>
    %convert_element_type3A_740 = arith.extui %lt3A_739 : vector<32x128xi1> to vector<32x128xi32>
    %reduce_sum3A_741 = vector.shape_cast %convert_element_type3A_740 : vector<32x128xi32> to vector<1x32x128xi32>
    %reduce_sum3A_742 = arith.constant dense<0> : vector<1xi32>
    %reduce_sum3A_743 = vector.multi_reduction <add>, %reduce_sum3A_741, %reduce_sum3A_742 [1, 2] : vector<1x32x128xi32> to vector<1xi32>
    %reduce_sum3A_744 = vector.shape_cast %reduce_sum3A_743 : vector<1xi32> to vector<1x1x1xi32>
    %reduce_sum3A_745 = vector.extract %reduce_sum3A_744[0, 0, 0] : i32 from vector<1x1x1xi32>
    %le3A_746 = arith.constant 1024 : i32
    %le3A_747 = arith.cmpi sle, %reduce_sum3A_745, %le3A_746 : i32
    %select_n3A_748 = arith.select %le3A_747, %add3A_737, %select_n3A_735 : i32
    %add3A_749 = arith.constant 64 : i32
    %add3A_750 = arith.addi %select_n3A_748, %add3A_749 : i32
    %lt3A_751 = vector.broadcast %add3A_750 : i32 to vector<32x128xi32>
    %lt3A_752 = arith.cmpi slt, %select_n3A, %lt3A_751 : vector<32x128xi32>
    %convert_element_type3A_753 = arith.extui %lt3A_752 : vector<32x128xi1> to vector<32x128xi32>
    %reduce_sum3A_754 = vector.shape_cast %convert_element_type3A_753 : vector<32x128xi32> to vector<1x32x128xi32>
    %reduce_sum3A_755 = arith.constant dense<0> : vector<1xi32>
    %reduce_sum3A_756 = vector.multi_reduction <add>, %reduce_sum3A_754, %reduce_sum3A_755 [1, 2] : vector<1x32x128xi32> to vector<1xi32>
    %reduce_sum3A_757 = vector.shape_cast %reduce_sum3A_756 : vector<1xi32> to vector<1x1x1xi32>
    %reduce_sum3A_758 = vector.extract %reduce_sum3A_757[0, 0, 0] : i32 from vector<1x1x1xi32>
    %le3A_759 = arith.constant 1024 : i32
    %le3A_760 = arith.cmpi sle, %reduce_sum3A_758, %le3A_759 : i32
    %select_n3A_761 = arith.select %le3A_760, %add3A_750, %select_n3A_748 : i32
    %add3A_762 = arith.constant 32 : i32
    %add3A_763 = arith.addi %select_n3A_761, %add3A_762 : i32
    %lt3A_764 = vector.broadcast %add3A_763 : i32 to vector<32x128xi32>
    %lt3A_765 = arith.cmpi slt, %select_n3A, %lt3A_764 : vector<32x128xi32>
    %convert_element_type3A_766 = arith.extui %lt3A_765 : vector<32x128xi1> to vector<32x128xi32>
    %reduce_sum3A_767 = vector.shape_cast %convert_element_type3A_766 : vector<32x128xi32> to vector<1x32x128xi32>
    %reduce_sum3A_768 = arith.constant dense<0> : vector<1xi32>
    %reduce_sum3A_769 = vector.multi_reduction <add>, %reduce_sum3A_767, %reduce_sum3A_768 [1, 2] : vector<1x32x128xi32> to vector<1xi32>
    %reduce_sum3A_770 = vector.shape_cast %reduce_sum3A_769 : vector<1xi32> to vector<1x1x1xi32>
    %reduce_sum3A_771 = vector.extract %reduce_sum3A_770[0, 0, 0] : i32 from vector<1x1x1xi32>
    %le3A_772 = arith.constant 1024 : i32
    %le3A_773 = arith.cmpi sle, %reduce_sum3A_771, %le3A_772 : i32
    %select_n3A_774 = arith.select %le3A_773, %add3A_763, %select_n3A_761 : i32
    %add3A_775 = arith.constant 16 : i32
    %add3A_776 = arith.addi %select_n3A_774, %add3A_775 : i32
    %lt3A_777 = vector.broadcast %add3A_776 : i32 to vector<32x128xi32>
    %lt3A_778 = arith.cmpi slt, %select_n3A, %lt3A_777 : vector<32x128xi32>
    %convert_element_type3A_779 = arith.extui %lt3A_778 : vector<32x128xi1> to vector<32x128xi32>
    %reduce_sum3A_780 = vector.shape_cast %convert_element_type3A_779 : vector<32x128xi32> to vector<1x32x128xi32>
    %reduce_sum3A_781 = arith.constant dense<0> : vector<1xi32>
    %reduce_sum3A_782 = vector.multi_reduction <add>, %reduce_sum3A_780, %reduce_sum3A_781 [1, 2] : vector<1x32x128xi32> to vector<1xi32>
    %reduce_sum3A_783 = vector.shape_cast %reduce_sum3A_782 : vector<1xi32> to vector<1x1x1xi32>
    %reduce_sum3A_784 = vector.extract %reduce_sum3A_783[0, 0, 0] : i32 from vector<1x1x1xi32>
    %le3A_785 = arith.constant 1024 : i32
    %le3A_786 = arith.cmpi sle, %reduce_sum3A_784, %le3A_785 : i32
    %select_n3A_787 = arith.select %le3A_786, %add3A_776, %select_n3A_774 : i32
    %add3A_788 = arith.constant 8 : i32
    %add3A_789 = arith.addi %select_n3A_787, %add3A_788 : i32
    %lt3A_790 = vector.broadcast %add3A_789 : i32 to vector<32x128xi32>
    %lt3A_791 = arith.cmpi slt, %select_n3A, %lt3A_790 : vector<32x128xi32>
    %convert_element_type3A_792 = arith.extui %lt3A_791 : vector<32x128xi1> to vector<32x128xi32>
    %reduce_sum3A_793 = vector.shape_cast %convert_element_type3A_792 : vector<32x128xi32> to vector<1x32x128xi32>
    %reduce_sum3A_794 = arith.constant dense<0> : vector<1xi32>
    %reduce_sum3A_795 = vector.multi_reduction <add>, %reduce_sum3A_793, %reduce_sum3A_794 [1, 2] : vector<1x32x128xi32> to vector<1xi32>
    %reduce_sum3A_796 = vector.shape_cast %reduce_sum3A_795 : vector<1xi32> to vector<1x1x1xi32>
    %reduce_sum3A_797 = vector.extract %reduce_sum3A_796[0, 0, 0] : i32 from vector<1x1x1xi32>
    %le3A_798 = arith.constant 1024 : i32
    %le3A_799 = arith.cmpi sle, %reduce_sum3A_797, %le3A_798 : i32
    %select_n3A_800 = arith.select %le3A_799, %add3A_789, %select_n3A_787 : i32
    %add3A_801 = arith.constant 4 : i32
    %add3A_802 = arith.addi %select_n3A_800, %add3A_801 : i32
    %lt3A_803 = vector.broadcast %add3A_802 : i32 to vector<32x128xi32>
    %lt3A_804 = arith.cmpi slt, %select_n3A, %lt3A_803 : vector<32x128xi32>
    %convert_element_type3A_805 = arith.extui %lt3A_804 : vector<32x128xi1> to vector<32x128xi32>
    %reduce_sum3A_806 = vector.shape_cast %convert_element_type3A_805 : vector<32x128xi32> to vector<1x32x128xi32>
    %reduce_sum3A_807 = arith.constant dense<0> : vector<1xi32>
    %reduce_sum3A_808 = vector.multi_reduction <add>, %reduce_sum3A_806, %reduce_sum3A_807 [1, 2] : vector<1x32x128xi32> to vector<1xi32>
    %reduce_sum3A_809 = vector.shape_cast %reduce_sum3A_808 : vector<1xi32> to vector<1x1x1xi32>
    %reduce_sum3A_810 = vector.extract %reduce_sum3A_809[0, 0, 0] : i32 from vector<1x1x1xi32>
    %le3A_811 = arith.constant 1024 : i32
    %le3A_812 = arith.cmpi sle, %reduce_sum3A_810, %le3A_811 : i32
    %select_n3A_813 = arith.select %le3A_812, %add3A_802, %select_n3A_800 : i32
    %add3A_814 = arith.constant 2 : i32
    %add3A_815 = arith.addi %select_n3A_813, %add3A_814 : i32
    %lt3A_816 = vector.broadcast %add3A_815 : i32 to vector<32x128xi32>
    %lt3A_817 = arith.cmpi slt, %select_n3A, %lt3A_816 : vector<32x128xi32>
    %convert_element_type3A_818 = arith.extui %lt3A_817 : vector<32x128xi1> to vector<32x128xi32>
    %reduce_sum3A_819 = vector.shape_cast %convert_element_type3A_818 : vector<32x128xi32> to vector<1x32x128xi32>
    %reduce_sum3A_820 = arith.constant dense<0> : vector<1xi32>
    %reduce_sum3A_821 = vector.multi_reduction <add>, %reduce_sum3A_819, %reduce_sum3A_820 [1, 2] : vector<1x32x128xi32> to vector<1xi32>
    %reduce_sum3A_822 = vector.shape_cast %reduce_sum3A_821 : vector<1xi32> to vector<1x1x1xi32>
    %reduce_sum3A_823 = vector.extract %reduce_sum3A_822[0, 0, 0] : i32 from vector<1x1x1xi32>
    %le3A_824 = arith.constant 1024 : i32
    %le3A_825 = arith.cmpi sle, %reduce_sum3A_823, %le3A_824 : i32
    %select_n3A_826 = arith.select %le3A_825, %add3A_815, %select_n3A_813 : i32
    %add3A_827 = arith.constant 1 : i32
    %add3A_828 = arith.addi %select_n3A_826, %add3A_827 : i32
    %lt3A_829 = vector.broadcast %add3A_828 : i32 to vector<32x128xi32>
    %lt3A_830 = arith.cmpi slt, %select_n3A, %lt3A_829 : vector<32x128xi32>
    %convert_element_type3A_831 = arith.extui %lt3A_830 : vector<32x128xi1> to vector<32x128xi32>
    %reduce_sum3A_832 = vector.shape_cast %convert_element_type3A_831 : vector<32x128xi32> to vector<1x32x128xi32>
    %reduce_sum3A_833 = arith.constant dense<0> : vector<1xi32>
    %reduce_sum3A_834 = vector.multi_reduction <add>, %reduce_sum3A_832, %reduce_sum3A_833 [1, 2] : vector<1x32x128xi32> to vector<1xi32>
    %reduce_sum3A_835 = vector.shape_cast %reduce_sum3A_834 : vector<1xi32> to vector<1x1x1xi32>
    %reduce_sum3A_836 = vector.extract %reduce_sum3A_835[0, 0, 0] : i32 from vector<1x1x1xi32>
    %le3A_837 = arith.constant 1024 : i32
    %le3A_838 = arith.cmpi sle, %reduce_sum3A_836, %le3A_837 : i32
    %select_n3A_839 = arith.select %le3A_838, %add3A_828, %select_n3A_826 : i32
    %ge3A_840 = arith.constant 0 : i32
    %ge3A_841 = arith.cmpi sge, %select_n3A_839, %ge3A_840 : i32
    %sub3A_842 = arith.constant -2147483648 : i32
    %sub3A_843 = arith.subi %sub3A_842, %select_n3A_839 : i32
    %select_n3A_844 = arith.select %ge3A_841, %select_n3A_839, %sub3A_843 : i32
    %bitcast_convert_type3A_845 = arith.bitcast %select_n3A_844 : i32 to f32
    %lt3A_846 = arith.constant 0 : i32
    %lt3A_847 = vector.broadcast %lt3A_846 : i32 to vector<32x128xi32>
    %lt3A_848 = arith.cmpi slt, %select_n3A, %lt3A_847 : vector<32x128xi32>
    %convert_element_type3A_849 = arith.extui %lt3A_848 : vector<32x128xi1> to vector<32x128xi32>
    %reduce_sum3A_850 = vector.shape_cast %convert_element_type3A_849 : vector<32x128xi32> to vector<1x32x128xi32>
    %reduce_sum3A_851 = arith.constant dense<0> : vector<1xi32>
    %reduce_sum3A_852 = vector.multi_reduction <add>, %reduce_sum3A_850, %reduce_sum3A_851 [1, 2] : vector<1x32x128xi32> to vector<1xi32>
    %reduce_sum3A_853 = vector.shape_cast %reduce_sum3A_852 : vector<1xi32> to vector<1x1x1xi32>
    %reduce_sum3A_854 = vector.extract %reduce_sum3A_853[0, 0, 0] : i32 from vector<1x1x1xi32>
    %le3A_855 = arith.constant 3071 : i32
    %le3A_856 = arith.cmpi sle, %reduce_sum3A_854, %le3A_855 : i32
    %jit3A_857 = arith.constant 0 : i32
    %jit3A_858 = arith.constant -2147483648 : i32
    %select_n3A_859 = arith.select %le3A_856, %jit3A_857, %jit3A_858 : i32
    %add3A_860 = arith.constant 1073741824 : i32
    %add3A_861 = arith.addi %select_n3A_859, %add3A_860 : i32
    %lt3A_862 = vector.broadcast %add3A_861 : i32 to vector<32x128xi32>
    %lt3A_863 = arith.cmpi slt, %select_n3A, %lt3A_862 : vector<32x128xi32>
    %convert_element_type3A_864 = arith.extui %lt3A_863 : vector<32x128xi1> to vector<32x128xi32>
    %reduce_sum3A_865 = vector.shape_cast %convert_element_type3A_864 : vector<32x128xi32> to vector<1x32x128xi32>
    %reduce_sum3A_866 = arith.constant dense<0> : vector<1xi32>
    %reduce_sum3A_867 = vector.multi_reduction <add>, %reduce_sum3A_865, %reduce_sum3A_866 [1, 2] : vector<1x32x128xi32> to vector<1xi32>
    %reduce_sum3A_868 = vector.shape_cast %reduce_sum3A_867 : vector<1xi32> to vector<1x1x1xi32>
    %reduce_sum3A_869 = vector.extract %reduce_sum3A_868[0, 0, 0] : i32 from vector<1x1x1xi32>
    %le3A_870 = arith.constant 3071 : i32
    %le3A_871 = arith.cmpi sle, %reduce_sum3A_869, %le3A_870 : i32
    %select_n3A_872 = arith.select %le3A_871, %add3A_861, %select_n3A_859 : i32
    %add3A_873 = arith.constant 536870912 : i32
    %add3A_874 = arith.addi %select_n3A_872, %add3A_873 : i32
    %lt3A_875 = vector.broadcast %add3A_874 : i32 to vector<32x128xi32>
    %lt3A_876 = arith.cmpi slt, %select_n3A, %lt3A_875 : vector<32x128xi32>
    %convert_element_type3A_877 = arith.extui %lt3A_876 : vector<32x128xi1> to vector<32x128xi32>
    %reduce_sum3A_878 = vector.shape_cast %convert_element_type3A_877 : vector<32x128xi32> to vector<1x32x128xi32>
    %reduce_sum3A_879 = arith.constant dense<0> : vector<1xi32>
    %reduce_sum3A_880 = vector.multi_reduction <add>, %reduce_sum3A_878, %reduce_sum3A_879 [1, 2] : vector<1x32x128xi32> to vector<1xi32>
    %reduce_sum3A_881 = vector.shape_cast %reduce_sum3A_880 : vector<1xi32> to vector<1x1x1xi32>
    %reduce_sum3A_882 = vector.extract %reduce_sum3A_881[0, 0, 0] : i32 from vector<1x1x1xi32>
    %le3A_883 = arith.constant 3071 : i32
    %le3A_884 = arith.cmpi sle, %reduce_sum3A_882, %le3A_883 : i32
    %select_n3A_885 = arith.select %le3A_884, %add3A_874, %select_n3A_872 : i32
    %add3A_886 = arith.constant 268435456 : i32
    %add3A_887 = arith.addi %select_n3A_885, %add3A_886 : i32
    %lt3A_888 = vector.broadcast %add3A_887 : i32 to vector<32x128xi32>
    %lt3A_889 = arith.cmpi slt, %select_n3A, %lt3A_888 : vector<32x128xi32>
    %convert_element_type3A_890 = arith.extui %lt3A_889 : vector<32x128xi1> to vector<32x128xi32>
    %reduce_sum3A_891 = vector.shape_cast %convert_element_type3A_890 : vector<32x128xi32> to vector<1x32x128xi32>
    %reduce_sum3A_892 = arith.constant dense<0> : vector<1xi32>
    %reduce_sum3A_893 = vector.multi_reduction <add>, %reduce_sum3A_891, %reduce_sum3A_892 [1, 2] : vector<1x32x128xi32> to vector<1xi32>
    %reduce_sum3A_894 = vector.shape_cast %reduce_sum3A_893 : vector<1xi32> to vector<1x1x1xi32>
    %reduce_sum3A_895 = vector.extract %reduce_sum3A_894[0, 0, 0] : i32 from vector<1x1x1xi32>
    %le3A_896 = arith.constant 3071 : i32
    %le3A_897 = arith.cmpi sle, %reduce_sum3A_895, %le3A_896 : i32
    %select_n3A_898 = arith.select %le3A_897, %add3A_887, %select_n3A_885 : i32
    %add3A_899 = arith.constant 134217728 : i32
    %add3A_900 = arith.addi %select_n3A_898, %add3A_899 : i32
    %lt3A_901 = vector.broadcast %add3A_900 : i32 to vector<32x128xi32>
    %lt3A_902 = arith.cmpi slt, %select_n3A, %lt3A_901 : vector<32x128xi32>
    %convert_element_type3A_903 = arith.extui %lt3A_902 : vector<32x128xi1> to vector<32x128xi32>
    %reduce_sum3A_904 = vector.shape_cast %convert_element_type3A_903 : vector<32x128xi32> to vector<1x32x128xi32>
    %reduce_sum3A_905 = arith.constant dense<0> : vector<1xi32>
    %reduce_sum3A_906 = vector.multi_reduction <add>, %reduce_sum3A_904, %reduce_sum3A_905 [1, 2] : vector<1x32x128xi32> to vector<1xi32>
    %reduce_sum3A_907 = vector.shape_cast %reduce_sum3A_906 : vector<1xi32> to vector<1x1x1xi32>
    %reduce_sum3A_908 = vector.extract %reduce_sum3A_907[0, 0, 0] : i32 from vector<1x1x1xi32>
    %le3A_909 = arith.constant 3071 : i32
    %le3A_910 = arith.cmpi sle, %reduce_sum3A_908, %le3A_909 : i32
    %select_n3A_911 = arith.select %le3A_910, %add3A_900, %select_n3A_898 : i32
    %add3A_912 = arith.constant 67108864 : i32
    %add3A_913 = arith.addi %select_n3A_911, %add3A_912 : i32
    %lt3A_914 = vector.broadcast %add3A_913 : i32 to vector<32x128xi32>
    %lt3A_915 = arith.cmpi slt, %select_n3A, %lt3A_914 : vector<32x128xi32>
    %convert_element_type3A_916 = arith.extui %lt3A_915 : vector<32x128xi1> to vector<32x128xi32>
    %reduce_sum3A_917 = vector.shape_cast %convert_element_type3A_916 : vector<32x128xi32> to vector<1x32x128xi32>
    %reduce_sum3A_918 = arith.constant dense<0> : vector<1xi32>
    %reduce_sum3A_919 = vector.multi_reduction <add>, %reduce_sum3A_917, %reduce_sum3A_918 [1, 2] : vector<1x32x128xi32> to vector<1xi32>
    %reduce_sum3A_920 = vector.shape_cast %reduce_sum3A_919 : vector<1xi32> to vector<1x1x1xi32>
    %reduce_sum3A_921 = vector.extract %reduce_sum3A_920[0, 0, 0] : i32 from vector<1x1x1xi32>
    %le3A_922 = arith.constant 3071 : i32
    %le3A_923 = arith.cmpi sle, %reduce_sum3A_921, %le3A_922 : i32
    %select_n3A_924 = arith.select %le3A_923, %add3A_913, %select_n3A_911 : i32
    %add3A_925 = arith.constant 33554432 : i32
    %add3A_926 = arith.addi %select_n3A_924, %add3A_925 : i32
    %lt3A_927 = vector.broadcast %add3A_926 : i32 to vector<32x128xi32>
    %lt3A_928 = arith.cmpi slt, %select_n3A, %lt3A_927 : vector<32x128xi32>
    %convert_element_type3A_929 = arith.extui %lt3A_928 : vector<32x128xi1> to vector<32x128xi32>
    %reduce_sum3A_930 = vector.shape_cast %convert_element_type3A_929 : vector<32x128xi32> to vector<1x32x128xi32>
    %reduce_sum3A_931 = arith.constant dense<0> : vector<1xi32>
    %reduce_sum3A_932 = vector.multi_reduction <add>, %reduce_sum3A_930, %reduce_sum3A_931 [1, 2] : vector<1x32x128xi32> to vector<1xi32>
    %reduce_sum3A_933 = vector.shape_cast %reduce_sum3A_932 : vector<1xi32> to vector<1x1x1xi32>
    %reduce_sum3A_934 = vector.extract %reduce_sum3A_933[0, 0, 0] : i32 from vector<1x1x1xi32>
    %le3A_935 = arith.constant 3071 : i32
    %le3A_936 = arith.cmpi sle, %reduce_sum3A_934, %le3A_935 : i32
    %select_n3A_937 = arith.select %le3A_936, %add3A_926, %select_n3A_924 : i32
    %add3A_938 = arith.constant 16777216 : i32
    %add3A_939 = arith.addi %select_n3A_937, %add3A_938 : i32
    %lt3A_940 = vector.broadcast %add3A_939 : i32 to vector<32x128xi32>
    %lt3A_941 = arith.cmpi slt, %select_n3A, %lt3A_940 : vector<32x128xi32>
    %convert_element_type3A_942 = arith.extui %lt3A_941 : vector<32x128xi1> to vector<32x128xi32>
    %reduce_sum3A_943 = vector.shape_cast %convert_element_type3A_942 : vector<32x128xi32> to vector<1x32x128xi32>
    %reduce_sum3A_944 = arith.constant dense<0> : vector<1xi32>
    %reduce_sum3A_945 = vector.multi_reduction <add>, %reduce_sum3A_943, %reduce_sum3A_944 [1, 2] : vector<1x32x128xi32> to vector<1xi32>
    %reduce_sum3A_946 = vector.shape_cast %reduce_sum3A_945 : vector<1xi32> to vector<1x1x1xi32>
    %reduce_sum3A_947 = vector.extract %reduce_sum3A_946[0, 0, 0] : i32 from vector<1x1x1xi32>
    %le3A_948 = arith.constant 3071 : i32
    %le3A_949 = arith.cmpi sle, %reduce_sum3A_947, %le3A_948 : i32
    %select_n3A_950 = arith.select %le3A_949, %add3A_939, %select_n3A_937 : i32
    %add3A_951 = arith.constant 8388608 : i32
    %add3A_952 = arith.addi %select_n3A_950, %add3A_951 : i32
    %lt3A_953 = vector.broadcast %add3A_952 : i32 to vector<32x128xi32>
    %lt3A_954 = arith.cmpi slt, %select_n3A, %lt3A_953 : vector<32x128xi32>
    %convert_element_type3A_955 = arith.extui %lt3A_954 : vector<32x128xi1> to vector<32x128xi32>
    %reduce_sum3A_956 = vector.shape_cast %convert_element_type3A_955 : vector<32x128xi32> to vector<1x32x128xi32>
    %reduce_sum3A_957 = arith.constant dense<0> : vector<1xi32>
    %reduce_sum3A_958 = vector.multi_reduction <add>, %reduce_sum3A_956, %reduce_sum3A_957 [1, 2] : vector<1x32x128xi32> to vector<1xi32>
    %reduce_sum3A_959 = vector.shape_cast %reduce_sum3A_958 : vector<1xi32> to vector<1x1x1xi32>
    %reduce_sum3A_960 = vector.extract %reduce_sum3A_959[0, 0, 0] : i32 from vector<1x1x1xi32>
    %le3A_961 = arith.constant 3071 : i32
    %le3A_962 = arith.cmpi sle, %reduce_sum3A_960, %le3A_961 : i32
    %select_n3A_963 = arith.select %le3A_962, %add3A_952, %select_n3A_950 : i32
    %add3A_964 = arith.constant 4194304 : i32
    %add3A_965 = arith.addi %select_n3A_963, %add3A_964 : i32
    %lt3A_966 = vector.broadcast %add3A_965 : i32 to vector<32x128xi32>
    %lt3A_967 = arith.cmpi slt, %select_n3A, %lt3A_966 : vector<32x128xi32>
    %convert_element_type3A_968 = arith.extui %lt3A_967 : vector<32x128xi1> to vector<32x128xi32>
    %reduce_sum3A_969 = vector.shape_cast %convert_element_type3A_968 : vector<32x128xi32> to vector<1x32x128xi32>
    %reduce_sum3A_970 = arith.constant dense<0> : vector<1xi32>
    %reduce_sum3A_971 = vector.multi_reduction <add>, %reduce_sum3A_969, %reduce_sum3A_970 [1, 2] : vector<1x32x128xi32> to vector<1xi32>
    %reduce_sum3A_972 = vector.shape_cast %reduce_sum3A_971 : vector<1xi32> to vector<1x1x1xi32>
    %reduce_sum3A_973 = vector.extract %reduce_sum3A_972[0, 0, 0] : i32 from vector<1x1x1xi32>
    %le3A_974 = arith.constant 3071 : i32
    %le3A_975 = arith.cmpi sle, %reduce_sum3A_973, %le3A_974 : i32
    %select_n3A_976 = arith.select %le3A_975, %add3A_965, %select_n3A_963 : i32
    %add3A_977 = arith.constant 2097152 : i32
    %add3A_978 = arith.addi %select_n3A_976, %add3A_977 : i32
    %lt3A_979 = vector.broadcast %add3A_978 : i32 to vector<32x128xi32>
    %lt3A_980 = arith.cmpi slt, %select_n3A, %lt3A_979 : vector<32x128xi32>
    %convert_element_type3A_981 = arith.extui %lt3A_980 : vector<32x128xi1> to vector<32x128xi32>
    %reduce_sum3A_982 = vector.shape_cast %convert_element_type3A_981 : vector<32x128xi32> to vector<1x32x128xi32>
    %reduce_sum3A_983 = arith.constant dense<0> : vector<1xi32>
    %reduce_sum3A_984 = vector.multi_reduction <add>, %reduce_sum3A_982, %reduce_sum3A_983 [1, 2] : vector<1x32x128xi32> to vector<1xi32>
    %reduce_sum3A_985 = vector.shape_cast %reduce_sum3A_984 : vector<1xi32> to vector<1x1x1xi32>
    %reduce_sum3A_986 = vector.extract %reduce_sum3A_985[0, 0, 0] : i32 from vector<1x1x1xi32>
    %le3A_987 = arith.constant 3071 : i32
    %le3A_988 = arith.cmpi sle, %reduce_sum3A_986, %le3A_987 : i32
    %select_n3A_989 = arith.select %le3A_988, %add3A_978, %select_n3A_976 : i32
    %add3A_990 = arith.constant 1048576 : i32
    %add3A_991 = arith.addi %select_n3A_989, %add3A_990 : i32
    %lt3A_992 = vector.broadcast %add3A_991 : i32 to vector<32x128xi32>
    %lt3A_993 = arith.cmpi slt, %select_n3A, %lt3A_992 : vector<32x128xi32>
    %convert_element_type3A_994 = arith.extui %lt3A_993 : vector<32x128xi1> to vector<32x128xi32>
    %reduce_sum3A_995 = vector.shape_cast %convert_element_type3A_994 : vector<32x128xi32> to vector<1x32x128xi32>
    %reduce_sum3A_996 = arith.constant dense<0> : vector<1xi32>
    %reduce_sum3A_997 = vector.multi_reduction <add>, %reduce_sum3A_995, %reduce_sum3A_996 [1, 2] : vector<1x32x128xi32> to vector<1xi32>
    %reduce_sum3A_998 = vector.shape_cast %reduce_sum3A_997 : vector<1xi32> to vector<1x1x1xi32>
    %reduce_sum3A_999 = vector.extract %reduce_sum3A_998[0, 0, 0] : i32 from vector<1x1x1xi32>
    %le3A_1000 = arith.constant 3071 : i32
    %le3A_1001 = arith.cmpi sle, %reduce_sum3A_999, %le3A_1000 : i32
    %select_n3A_1002 = arith.select %le3A_1001, %add3A_991, %select_n3A_989 : i32
    %add3A_1003 = arith.constant 524288 : i32
    %add3A_1004 = arith.addi %select_n3A_1002, %add3A_1003 : i32
    %lt3A_1005 = vector.broadcast %add3A_1004 : i32 to vector<32x128xi32>
    %lt3A_1006 = arith.cmpi slt, %select_n3A, %lt3A_1005 : vector<32x128xi32>
    %convert_element_type3A_1007 = arith.extui %lt3A_1006 : vector<32x128xi1> to vector<32x128xi32>
    %reduce_sum3A_1008 = vector.shape_cast %convert_element_type3A_1007 : vector<32x128xi32> to vector<1x32x128xi32>
    %reduce_sum3A_1009 = arith.constant dense<0> : vector<1xi32>
    %reduce_sum3A_1010 = vector.multi_reduction <add>, %reduce_sum3A_1008, %reduce_sum3A_1009 [1, 2] : vector<1x32x128xi32> to vector<1xi32>
    %reduce_sum3A_1011 = vector.shape_cast %reduce_sum3A_1010 : vector<1xi32> to vector<1x1x1xi32>
    %reduce_sum3A_1012 = vector.extract %reduce_sum3A_1011[0, 0, 0] : i32 from vector<1x1x1xi32>
    %le3A_1013 = arith.constant 3071 : i32
    %le3A_1014 = arith.cmpi sle, %reduce_sum3A_1012, %le3A_1013 : i32
    %select_n3A_1015 = arith.select %le3A_1014, %add3A_1004, %select_n3A_1002 : i32
    %add3A_1016 = arith.constant 262144 : i32
    %add3A_1017 = arith.addi %select_n3A_1015, %add3A_1016 : i32
    %lt3A_1018 = vector.broadcast %add3A_1017 : i32 to vector<32x128xi32>
    %lt3A_1019 = arith.cmpi slt, %select_n3A, %lt3A_1018 : vector<32x128xi32>
    %convert_element_type3A_1020 = arith.extui %lt3A_1019 : vector<32x128xi1> to vector<32x128xi32>
    %reduce_sum3A_1021 = vector.shape_cast %convert_element_type3A_1020 : vector<32x128xi32> to vector<1x32x128xi32>
    %reduce_sum3A_1022 = arith.constant dense<0> : vector<1xi32>
    %reduce_sum3A_1023 = vector.multi_reduction <add>, %reduce_sum3A_1021, %reduce_sum3A_1022 [1, 2] : vector<1x32x128xi32> to vector<1xi32>
    %reduce_sum3A_1024 = vector.shape_cast %reduce_sum3A_1023 : vector<1xi32> to vector<1x1x1xi32>
    %reduce_sum3A_1025 = vector.extract %reduce_sum3A_1024[0, 0, 0] : i32 from vector<1x1x1xi32>
    %le3A_1026 = arith.constant 3071 : i32
    %le3A_1027 = arith.cmpi sle, %reduce_sum3A_1025, %le3A_1026 : i32
    %select_n3A_1028 = arith.select %le3A_1027, %add3A_1017, %select_n3A_1015 : i32
    %add3A_1029 = arith.constant 131072 : i32
    %add3A_1030 = arith.addi %select_n3A_1028, %add3A_1029 : i32
    %lt3A_1031 = vector.broadcast %add3A_1030 : i32 to vector<32x128xi32>
    %lt3A_1032 = arith.cmpi slt, %select_n3A, %lt3A_1031 : vector<32x128xi32>
    %convert_element_type3A_1033 = arith.extui %lt3A_1032 : vector<32x128xi1> to vector<32x128xi32>
    %reduce_sum3A_1034 = vector.shape_cast %convert_element_type3A_1033 : vector<32x128xi32> to vector<1x32x128xi32>
    %reduce_sum3A_1035 = arith.constant dense<0> : vector<1xi32>
    %reduce_sum3A_1036 = vector.multi_reduction <add>, %reduce_sum3A_1034, %reduce_sum3A_1035 [1, 2] : vector<1x32x128xi32> to vector<1xi32>
    %reduce_sum3A_1037 = vector.shape_cast %reduce_sum3A_1036 : vector<1xi32> to vector<1x1x1xi32>
    %reduce_sum3A_1038 = vector.extract %reduce_sum3A_1037[0, 0, 0] : i32 from vector<1x1x1xi32>
    %le3A_1039 = arith.constant 3071 : i32
    %le3A_1040 = arith.cmpi sle, %reduce_sum3A_1038, %le3A_1039 : i32
    %select_n3A_1041 = arith.select %le3A_1040, %add3A_1030, %select_n3A_1028 : i32
    %add3A_1042 = arith.constant 65536 : i32
    %add3A_1043 = arith.addi %select_n3A_1041, %add3A_1042 : i32
    %lt3A_1044 = vector.broadcast %add3A_1043 : i32 to vector<32x128xi32>
    %lt3A_1045 = arith.cmpi slt, %select_n3A, %lt3A_1044 : vector<32x128xi32>
    %convert_element_type3A_1046 = arith.extui %lt3A_1045 : vector<32x128xi1> to vector<32x128xi32>
    %reduce_sum3A_1047 = vector.shape_cast %convert_element_type3A_1046 : vector<32x128xi32> to vector<1x32x128xi32>
    %reduce_sum3A_1048 = arith.constant dense<0> : vector<1xi32>
    %reduce_sum3A_1049 = vector.multi_reduction <add>, %reduce_sum3A_1047, %reduce_sum3A_1048 [1, 2] : vector<1x32x128xi32> to vector<1xi32>
    %reduce_sum3A_1050 = vector.shape_cast %reduce_sum3A_1049 : vector<1xi32> to vector<1x1x1xi32>
    %reduce_sum3A_1051 = vector.extract %reduce_sum3A_1050[0, 0, 0] : i32 from vector<1x1x1xi32>
    %le3A_1052 = arith.constant 3071 : i32
    %le3A_1053 = arith.cmpi sle, %reduce_sum3A_1051, %le3A_1052 : i32
    %select_n3A_1054 = arith.select %le3A_1053, %add3A_1043, %select_n3A_1041 : i32
    %add3A_1055 = arith.constant 32768 : i32
    %add3A_1056 = arith.addi %select_n3A_1054, %add3A_1055 : i32
    %lt3A_1057 = vector.broadcast %add3A_1056 : i32 to vector<32x128xi32>
    %lt3A_1058 = arith.cmpi slt, %select_n3A, %lt3A_1057 : vector<32x128xi32>
    %convert_element_type3A_1059 = arith.extui %lt3A_1058 : vector<32x128xi1> to vector<32x128xi32>
    %reduce_sum3A_1060 = vector.shape_cast %convert_element_type3A_1059 : vector<32x128xi32> to vector<1x32x128xi32>
    %reduce_sum3A_1061 = arith.constant dense<0> : vector<1xi32>
    %reduce_sum3A_1062 = vector.multi_reduction <add>, %reduce_sum3A_1060, %reduce_sum3A_1061 [1, 2] : vector<1x32x128xi32> to vector<1xi32>
    %reduce_sum3A_1063 = vector.shape_cast %reduce_sum3A_1062 : vector<1xi32> to vector<1x1x1xi32>
    %reduce_sum3A_1064 = vector.extract %reduce_sum3A_1063[0, 0, 0] : i32 from vector<1x1x1xi32>
    %le3A_1065 = arith.constant 3071 : i32
    %le3A_1066 = arith.cmpi sle, %reduce_sum3A_1064, %le3A_1065 : i32
    %select_n3A_1067 = arith.select %le3A_1066, %add3A_1056, %select_n3A_1054 : i32
    %add3A_1068 = arith.constant 16384 : i32
    %add3A_1069 = arith.addi %select_n3A_1067, %add3A_1068 : i32
    %lt3A_1070 = vector.broadcast %add3A_1069 : i32 to vector<32x128xi32>
    %lt3A_1071 = arith.cmpi slt, %select_n3A, %lt3A_1070 : vector<32x128xi32>
    %convert_element_type3A_1072 = arith.extui %lt3A_1071 : vector<32x128xi1> to vector<32x128xi32>
    %reduce_sum3A_1073 = vector.shape_cast %convert_element_type3A_1072 : vector<32x128xi32> to vector<1x32x128xi32>
    %reduce_sum3A_1074 = arith.constant dense<0> : vector<1xi32>
    %reduce_sum3A_1075 = vector.multi_reduction <add>, %reduce_sum3A_1073, %reduce_sum3A_1074 [1, 2] : vector<1x32x128xi32> to vector<1xi32>
    %reduce_sum3A_1076 = vector.shape_cast %reduce_sum3A_1075 : vector<1xi32> to vector<1x1x1xi32>
    %reduce_sum3A_1077 = vector.extract %reduce_sum3A_1076[0, 0, 0] : i32 from vector<1x1x1xi32>
    %le3A_1078 = arith.constant 3071 : i32
    %le3A_1079 = arith.cmpi sle, %reduce_sum3A_1077, %le3A_1078 : i32
    %select_n3A_1080 = arith.select %le3A_1079, %add3A_1069, %select_n3A_1067 : i32
    %add3A_1081 = arith.constant 8192 : i32
    %add3A_1082 = arith.addi %select_n3A_1080, %add3A_1081 : i32
    %lt3A_1083 = vector.broadcast %add3A_1082 : i32 to vector<32x128xi32>
    %lt3A_1084 = arith.cmpi slt, %select_n3A, %lt3A_1083 : vector<32x128xi32>
    %convert_element_type3A_1085 = arith.extui %lt3A_1084 : vector<32x128xi1> to vector<32x128xi32>
    %reduce_sum3A_1086 = vector.shape_cast %convert_element_type3A_1085 : vector<32x128xi32> to vector<1x32x128xi32>
    %reduce_sum3A_1087 = arith.constant dense<0> : vector<1xi32>
    %reduce_sum3A_1088 = vector.multi_reduction <add>, %reduce_sum3A_1086, %reduce_sum3A_1087 [1, 2] : vector<1x32x128xi32> to vector<1xi32>
    %reduce_sum3A_1089 = vector.shape_cast %reduce_sum3A_1088 : vector<1xi32> to vector<1x1x1xi32>
    %reduce_sum3A_1090 = vector.extract %reduce_sum3A_1089[0, 0, 0] : i32 from vector<1x1x1xi32>
    %le3A_1091 = arith.constant 3071 : i32
    %le3A_1092 = arith.cmpi sle, %reduce_sum3A_1090, %le3A_1091 : i32
    %select_n3A_1093 = arith.select %le3A_1092, %add3A_1082, %select_n3A_1080 : i32
    %add3A_1094 = arith.constant 4096 : i32
    %add3A_1095 = arith.addi %select_n3A_1093, %add3A_1094 : i32
    %lt3A_1096 = vector.broadcast %add3A_1095 : i32 to vector<32x128xi32>
    %lt3A_1097 = arith.cmpi slt, %select_n3A, %lt3A_1096 : vector<32x128xi32>
    %convert_element_type3A_1098 = arith.extui %lt3A_1097 : vector<32x128xi1> to vector<32x128xi32>
    %reduce_sum3A_1099 = vector.shape_cast %convert_element_type3A_1098 : vector<32x128xi32> to vector<1x32x128xi32>
    %reduce_sum3A_1100 = arith.constant dense<0> : vector<1xi32>
    %reduce_sum3A_1101 = vector.multi_reduction <add>, %reduce_sum3A_1099, %reduce_sum3A_1100 [1, 2] : vector<1x32x128xi32> to vector<1xi32>
    %reduce_sum3A_1102 = vector.shape_cast %reduce_sum3A_1101 : vector<1xi32> to vector<1x1x1xi32>
    %reduce_sum3A_1103 = vector.extract %reduce_sum3A_1102[0, 0, 0] : i32 from vector<1x1x1xi32>
    %le3A_1104 = arith.constant 3071 : i32
    %le3A_1105 = arith.cmpi sle, %reduce_sum3A_1103, %le3A_1104 : i32
    %select_n3A_1106 = arith.select %le3A_1105, %add3A_1095, %select_n3A_1093 : i32
    %add3A_1107 = arith.constant 2048 : i32
    %add3A_1108 = arith.addi %select_n3A_1106, %add3A_1107 : i32
    %lt3A_1109 = vector.broadcast %add3A_1108 : i32 to vector<32x128xi32>
    %lt3A_1110 = arith.cmpi slt, %select_n3A, %lt3A_1109 : vector<32x128xi32>
    %convert_element_type3A_1111 = arith.extui %lt3A_1110 : vector<32x128xi1> to vector<32x128xi32>
    %reduce_sum3A_1112 = vector.shape_cast %convert_element_type3A_1111 : vector<32x128xi32> to vector<1x32x128xi32>
    %reduce_sum3A_1113 = arith.constant dense<0> : vector<1xi32>
    %reduce_sum3A_1114 = vector.multi_reduction <add>, %reduce_sum3A_1112, %reduce_sum3A_1113 [1, 2] : vector<1x32x128xi32> to vector<1xi32>
    %reduce_sum3A_1115 = vector.shape_cast %reduce_sum3A_1114 : vector<1xi32> to vector<1x1x1xi32>
    %reduce_sum3A_1116 = vector.extract %reduce_sum3A_1115[0, 0, 0] : i32 from vector<1x1x1xi32>
    %le3A_1117 = arith.constant 3071 : i32
    %le3A_1118 = arith.cmpi sle, %reduce_sum3A_1116, %le3A_1117 : i32
    %select_n3A_1119 = arith.select %le3A_1118, %add3A_1108, %select_n3A_1106 : i32
    %add3A_1120 = arith.constant 1024 : i32
    %add3A_1121 = arith.addi %select_n3A_1119, %add3A_1120 : i32
    %lt3A_1122 = vector.broadcast %add3A_1121 : i32 to vector<32x128xi32>
    %lt3A_1123 = arith.cmpi slt, %select_n3A, %lt3A_1122 : vector<32x128xi32>
    %convert_element_type3A_1124 = arith.extui %lt3A_1123 : vector<32x128xi1> to vector<32x128xi32>
    %reduce_sum3A_1125 = vector.shape_cast %convert_element_type3A_1124 : vector<32x128xi32> to vector<1x32x128xi32>
    %reduce_sum3A_1126 = arith.constant dense<0> : vector<1xi32>
    %reduce_sum3A_1127 = vector.multi_reduction <add>, %reduce_sum3A_1125, %reduce_sum3A_1126 [1, 2] : vector<1x32x128xi32> to vector<1xi32>
    %reduce_sum3A_1128 = vector.shape_cast %reduce_sum3A_1127 : vector<1xi32> to vector<1x1x1xi32>
    %reduce_sum3A_1129 = vector.extract %reduce_sum3A_1128[0, 0, 0] : i32 from vector<1x1x1xi32>
    %le3A_1130 = arith.constant 3071 : i32
    %le3A_1131 = arith.cmpi sle, %reduce_sum3A_1129, %le3A_1130 : i32
    %select_n3A_1132 = arith.select %le3A_1131, %add3A_1121, %select_n3A_1119 : i32
    %add3A_1133 = arith.constant 512 : i32
    %add3A_1134 = arith.addi %select_n3A_1132, %add3A_1133 : i32
    %lt3A_1135 = vector.broadcast %add3A_1134 : i32 to vector<32x128xi32>
    %lt3A_1136 = arith.cmpi slt, %select_n3A, %lt3A_1135 : vector<32x128xi32>
    %convert_element_type3A_1137 = arith.extui %lt3A_1136 : vector<32x128xi1> to vector<32x128xi32>
    %reduce_sum3A_1138 = vector.shape_cast %convert_element_type3A_1137 : vector<32x128xi32> to vector<1x32x128xi32>
    %reduce_sum3A_1139 = arith.constant dense<0> : vector<1xi32>
    %reduce_sum3A_1140 = vector.multi_reduction <add>, %reduce_sum3A_1138, %reduce_sum3A_1139 [1, 2] : vector<1x32x128xi32> to vector<1xi32>
    %reduce_sum3A_1141 = vector.shape_cast %reduce_sum3A_1140 : vector<1xi32> to vector<1x1x1xi32>
    %reduce_sum3A_1142 = vector.extract %reduce_sum3A_1141[0, 0, 0] : i32 from vector<1x1x1xi32>
    %le3A_1143 = arith.constant 3071 : i32
    %le3A_1144 = arith.cmpi sle, %reduce_sum3A_1142, %le3A_1143 : i32
    %select_n3A_1145 = arith.select %le3A_1144, %add3A_1134, %select_n3A_1132 : i32
    %add3A_1146 = arith.constant 256 : i32
    %add3A_1147 = arith.addi %select_n3A_1145, %add3A_1146 : i32
    %lt3A_1148 = vector.broadcast %add3A_1147 : i32 to vector<32x128xi32>
    %lt3A_1149 = arith.cmpi slt, %select_n3A, %lt3A_1148 : vector<32x128xi32>
    %convert_element_type3A_1150 = arith.extui %lt3A_1149 : vector<32x128xi1> to vector<32x128xi32>
    %reduce_sum3A_1151 = vector.shape_cast %convert_element_type3A_1150 : vector<32x128xi32> to vector<1x32x128xi32>
    %reduce_sum3A_1152 = arith.constant dense<0> : vector<1xi32>
    %reduce_sum3A_1153 = vector.multi_reduction <add>, %reduce_sum3A_1151, %reduce_sum3A_1152 [1, 2] : vector<1x32x128xi32> to vector<1xi32>
    %reduce_sum3A_1154 = vector.shape_cast %reduce_sum3A_1153 : vector<1xi32> to vector<1x1x1xi32>
    %reduce_sum3A_1155 = vector.extract %reduce_sum3A_1154[0, 0, 0] : i32 from vector<1x1x1xi32>
    %le3A_1156 = arith.constant 3071 : i32
    %le3A_1157 = arith.cmpi sle, %reduce_sum3A_1155, %le3A_1156 : i32
    %select_n3A_1158 = arith.select %le3A_1157, %add3A_1147, %select_n3A_1145 : i32
    %add3A_1159 = arith.constant 128 : i32
    %add3A_1160 = arith.addi %select_n3A_1158, %add3A_1159 : i32
    %lt3A_1161 = vector.broadcast %add3A_1160 : i32 to vector<32x128xi32>
    %lt3A_1162 = arith.cmpi slt, %select_n3A, %lt3A_1161 : vector<32x128xi32>
    %convert_element_type3A_1163 = arith.extui %lt3A_1162 : vector<32x128xi1> to vector<32x128xi32>
    %reduce_sum3A_1164 = vector.shape_cast %convert_element_type3A_1163 : vector<32x128xi32> to vector<1x32x128xi32>
    %reduce_sum3A_1165 = arith.constant dense<0> : vector<1xi32>
    %reduce_sum3A_1166 = vector.multi_reduction <add>, %reduce_sum3A_1164, %reduce_sum3A_1165 [1, 2] : vector<1x32x128xi32> to vector<1xi32>
    %reduce_sum3A_1167 = vector.shape_cast %reduce_sum3A_1166 : vector<1xi32> to vector<1x1x1xi32>
    %reduce_sum3A_1168 = vector.extract %reduce_sum3A_1167[0, 0, 0] : i32 from vector<1x1x1xi32>
    %le3A_1169 = arith.constant 3071 : i32
    %le3A_1170 = arith.cmpi sle, %reduce_sum3A_1168, %le3A_1169 : i32
    %select_n3A_1171 = arith.select %le3A_1170, %add3A_1160, %select_n3A_1158 : i32
    %add3A_1172 = arith.constant 64 : i32
    %add3A_1173 = arith.addi %select_n3A_1171, %add3A_1172 : i32
    %lt3A_1174 = vector.broadcast %add3A_1173 : i32 to vector<32x128xi32>
    %lt3A_1175 = arith.cmpi slt, %select_n3A, %lt3A_1174 : vector<32x128xi32>
    %convert_element_type3A_1176 = arith.extui %lt3A_1175 : vector<32x128xi1> to vector<32x128xi32>
    %reduce_sum3A_1177 = vector.shape_cast %convert_element_type3A_1176 : vector<32x128xi32> to vector<1x32x128xi32>
    %reduce_sum3A_1178 = arith.constant dense<0> : vector<1xi32>
    %reduce_sum3A_1179 = vector.multi_reduction <add>, %reduce_sum3A_1177, %reduce_sum3A_1178 [1, 2] : vector<1x32x128xi32> to vector<1xi32>
    %reduce_sum3A_1180 = vector.shape_cast %reduce_sum3A_1179 : vector<1xi32> to vector<1x1x1xi32>
    %reduce_sum3A_1181 = vector.extract %reduce_sum3A_1180[0, 0, 0] : i32 from vector<1x1x1xi32>
    %le3A_1182 = arith.constant 3071 : i32
    %le3A_1183 = arith.cmpi sle, %reduce_sum3A_1181, %le3A_1182 : i32
    %select_n3A_1184 = arith.select %le3A_1183, %add3A_1173, %select_n3A_1171 : i32
    %add3A_1185 = arith.constant 32 : i32
    %add3A_1186 = arith.addi %select_n3A_1184, %add3A_1185 : i32
    %lt3A_1187 = vector.broadcast %add3A_1186 : i32 to vector<32x128xi32>
    %lt3A_1188 = arith.cmpi slt, %select_n3A, %lt3A_1187 : vector<32x128xi32>
    %convert_element_type3A_1189 = arith.extui %lt3A_1188 : vector<32x128xi1> to vector<32x128xi32>
    %reduce_sum3A_1190 = vector.shape_cast %convert_element_type3A_1189 : vector<32x128xi32> to vector<1x32x128xi32>
    %reduce_sum3A_1191 = arith.constant dense<0> : vector<1xi32>
    %reduce_sum3A_1192 = vector.multi_reduction <add>, %reduce_sum3A_1190, %reduce_sum3A_1191 [1, 2] : vector<1x32x128xi32> to vector<1xi32>
    %reduce_sum3A_1193 = vector.shape_cast %reduce_sum3A_1192 : vector<1xi32> to vector<1x1x1xi32>
    %reduce_sum3A_1194 = vector.extract %reduce_sum3A_1193[0, 0, 0] : i32 from vector<1x1x1xi32>
    %le3A_1195 = arith.constant 3071 : i32
    %le3A_1196 = arith.cmpi sle, %reduce_sum3A_1194, %le3A_1195 : i32
    %select_n3A_1197 = arith.select %le3A_1196, %add3A_1186, %select_n3A_1184 : i32
    %add3A_1198 = arith.constant 16 : i32
    %add3A_1199 = arith.addi %select_n3A_1197, %add3A_1198 : i32
    %lt3A_1200 = vector.broadcast %add3A_1199 : i32 to vector<32x128xi32>
    %lt3A_1201 = arith.cmpi slt, %select_n3A, %lt3A_1200 : vector<32x128xi32>
    %convert_element_type3A_1202 = arith.extui %lt3A_1201 : vector<32x128xi1> to vector<32x128xi32>
    %reduce_sum3A_1203 = vector.shape_cast %convert_element_type3A_1202 : vector<32x128xi32> to vector<1x32x128xi32>
    %reduce_sum3A_1204 = arith.constant dense<0> : vector<1xi32>
    %reduce_sum3A_1205 = vector.multi_reduction <add>, %reduce_sum3A_1203, %reduce_sum3A_1204 [1, 2] : vector<1x32x128xi32> to vector<1xi32>
    %reduce_sum3A_1206 = vector.shape_cast %reduce_sum3A_1205 : vector<1xi32> to vector<1x1x1xi32>
    %reduce_sum3A_1207 = vector.extract %reduce_sum3A_1206[0, 0, 0] : i32 from vector<1x1x1xi32>
    %le3A_1208 = arith.constant 3071 : i32
    %le3A_1209 = arith.cmpi sle, %reduce_sum3A_1207, %le3A_1208 : i32
    %select_n3A_1210 = arith.select %le3A_1209, %add3A_1199, %select_n3A_1197 : i32
    %add3A_1211 = arith.constant 8 : i32
    %add3A_1212 = arith.addi %select_n3A_1210, %add3A_1211 : i32
    %lt3A_1213 = vector.broadcast %add3A_1212 : i32 to vector<32x128xi32>
    %lt3A_1214 = arith.cmpi slt, %select_n3A, %lt3A_1213 : vector<32x128xi32>
    %convert_element_type3A_1215 = arith.extui %lt3A_1214 : vector<32x128xi1> to vector<32x128xi32>
    %reduce_sum3A_1216 = vector.shape_cast %convert_element_type3A_1215 : vector<32x128xi32> to vector<1x32x128xi32>
    %reduce_sum3A_1217 = arith.constant dense<0> : vector<1xi32>
    %reduce_sum3A_1218 = vector.multi_reduction <add>, %reduce_sum3A_1216, %reduce_sum3A_1217 [1, 2] : vector<1x32x128xi32> to vector<1xi32>
    %reduce_sum3A_1219 = vector.shape_cast %reduce_sum3A_1218 : vector<1xi32> to vector<1x1x1xi32>
    %reduce_sum3A_1220 = vector.extract %reduce_sum3A_1219[0, 0, 0] : i32 from vector<1x1x1xi32>
    %le3A_1221 = arith.constant 3071 : i32
    %le3A_1222 = arith.cmpi sle, %reduce_sum3A_1220, %le3A_1221 : i32
    %select_n3A_1223 = arith.select %le3A_1222, %add3A_1212, %select_n3A_1210 : i32
    %add3A_1224 = arith.constant 4 : i32
    %add3A_1225 = arith.addi %select_n3A_1223, %add3A_1224 : i32
    %lt3A_1226 = vector.broadcast %add3A_1225 : i32 to vector<32x128xi32>
    %lt3A_1227 = arith.cmpi slt, %select_n3A, %lt3A_1226 : vector<32x128xi32>
    %convert_element_type3A_1228 = arith.extui %lt3A_1227 : vector<32x128xi1> to vector<32x128xi32>
    %reduce_sum3A_1229 = vector.shape_cast %convert_element_type3A_1228 : vector<32x128xi32> to vector<1x32x128xi32>
    %reduce_sum3A_1230 = arith.constant dense<0> : vector<1xi32>
    %reduce_sum3A_1231 = vector.multi_reduction <add>, %reduce_sum3A_1229, %reduce_sum3A_1230 [1, 2] : vector<1x32x128xi32> to vector<1xi32>
    %reduce_sum3A_1232 = vector.shape_cast %reduce_sum3A_1231 : vector<1xi32> to vector<1x1x1xi32>
    %reduce_sum3A_1233 = vector.extract %reduce_sum3A_1232[0, 0, 0] : i32 from vector<1x1x1xi32>
    %le3A_1234 = arith.constant 3071 : i32
    %le3A_1235 = arith.cmpi sle, %reduce_sum3A_1233, %le3A_1234 : i32
    %select_n3A_1236 = arith.select %le3A_1235, %add3A_1225, %select_n3A_1223 : i32
    %add3A_1237 = arith.constant 2 : i32
    %add3A_1238 = arith.addi %select_n3A_1236, %add3A_1237 : i32
    %lt3A_1239 = vector.broadcast %add3A_1238 : i32 to vector<32x128xi32>
    %lt3A_1240 = arith.cmpi slt, %select_n3A, %lt3A_1239 : vector<32x128xi32>
    %convert_element_type3A_1241 = arith.extui %lt3A_1240 : vector<32x128xi1> to vector<32x128xi32>
    %reduce_sum3A_1242 = vector.shape_cast %convert_element_type3A_1241 : vector<32x128xi32> to vector<1x32x128xi32>
    %reduce_sum3A_1243 = arith.constant dense<0> : vector<1xi32>
    %reduce_sum3A_1244 = vector.multi_reduction <add>, %reduce_sum3A_1242, %reduce_sum3A_1243 [1, 2] : vector<1x32x128xi32> to vector<1xi32>
    %reduce_sum3A_1245 = vector.shape_cast %reduce_sum3A_1244 : vector<1xi32> to vector<1x1x1xi32>
    %reduce_sum3A_1246 = vector.extract %reduce_sum3A_1245[0, 0, 0] : i32 from vector<1x1x1xi32>
    %le3A_1247 = arith.constant 3071 : i32
    %le3A_1248 = arith.cmpi sle, %reduce_sum3A_1246, %le3A_1247 : i32
    %select_n3A_1249 = arith.select %le3A_1248, %add3A_1238, %select_n3A_1236 : i32
    %add3A_1250 = arith.constant 1 : i32
    %add3A_1251 = arith.addi %select_n3A_1249, %add3A_1250 : i32
    %lt3A_1252 = vector.broadcast %add3A_1251 : i32 to vector<32x128xi32>
    %lt3A_1253 = arith.cmpi slt, %select_n3A, %lt3A_1252 : vector<32x128xi32>
    %convert_element_type3A_1254 = arith.extui %lt3A_1253 : vector<32x128xi1> to vector<32x128xi32>
    %reduce_sum3A_1255 = vector.shape_cast %convert_element_type3A_1254 : vector<32x128xi32> to vector<1x32x128xi32>
    %reduce_sum3A_1256 = arith.constant dense<0> : vector<1xi32>
    %reduce_sum3A_1257 = vector.multi_reduction <add>, %reduce_sum3A_1255, %reduce_sum3A_1256 [1, 2] : vector<1x32x128xi32> to vector<1xi32>
    %reduce_sum3A_1258 = vector.shape_cast %reduce_sum3A_1257 : vector<1xi32> to vector<1x1x1xi32>
    %reduce_sum3A_1259 = vector.extract %reduce_sum3A_1258[0, 0, 0] : i32 from vector<1x1x1xi32>
    %le3A_1260 = arith.constant 3071 : i32
    %le3A_1261 = arith.cmpi sle, %reduce_sum3A_1259, %le3A_1260 : i32
    %select_n3A_1262 = arith.select %le3A_1261, %add3A_1251, %select_n3A_1249 : i32
    %ge3A_1263 = arith.constant 0 : i32
    %ge3A_1264 = arith.cmpi sge, %select_n3A_1262, %ge3A_1263 : i32
    %sub3A_1265 = arith.constant -2147483648 : i32
    %sub3A_1266 = arith.subi %sub3A_1265, %select_n3A_1262 : i32
    %select_n3A_1267 = arith.select %ge3A_1264, %select_n3A_1262, %sub3A_1266 : i32
    %bitcast_convert_type3A_1268 = arith.bitcast %select_n3A_1267 : i32 to f32
    %lt3A_1269 = arith.constant 0 : i32
    %lt3A_1270 = vector.broadcast %lt3A_1269 : i32 to vector<32x128xi32>
    %lt3A_1271 = arith.cmpi slt, %select_n3A, %lt3A_1270 : vector<32x128xi32>
    %convert_element_type3A_1272 = arith.extui %lt3A_1271 : vector<32x128xi1> to vector<32x128xi32>
    %reduce_sum3A_1273 = vector.shape_cast %convert_element_type3A_1272 : vector<32x128xi32> to vector<1x32x128xi32>
    %reduce_sum3A_1274 = arith.constant dense<0> : vector<1xi32>
    %reduce_sum3A_1275 = vector.multi_reduction <add>, %reduce_sum3A_1273, %reduce_sum3A_1274 [1, 2] : vector<1x32x128xi32> to vector<1xi32>
    %reduce_sum3A_1276 = vector.shape_cast %reduce_sum3A_1275 : vector<1xi32> to vector<1x1x1xi32>
    %reduce_sum3A_1277 = vector.extract %reduce_sum3A_1276[0, 0, 0] : i32 from vector<1x1x1xi32>
    %le3A_1278 = arith.constant 3072 : i32
    %le3A_1279 = arith.cmpi sle, %reduce_sum3A_1277, %le3A_1278 : i32
    %jit3A_1280 = arith.constant 0 : i32
    %jit3A_1281 = arith.constant -2147483648 : i32
    %select_n3A_1282 = arith.select %le3A_1279, %jit3A_1280, %jit3A_1281 : i32
    %add3A_1283 = arith.constant 1073741824 : i32
    %add3A_1284 = arith.addi %select_n3A_1282, %add3A_1283 : i32
    %lt3A_1285 = vector.broadcast %add3A_1284 : i32 to vector<32x128xi32>
    %lt3A_1286 = arith.cmpi slt, %select_n3A, %lt3A_1285 : vector<32x128xi32>
    %convert_element_type3A_1287 = arith.extui %lt3A_1286 : vector<32x128xi1> to vector<32x128xi32>
    %reduce_sum3A_1288 = vector.shape_cast %convert_element_type3A_1287 : vector<32x128xi32> to vector<1x32x128xi32>
    %reduce_sum3A_1289 = arith.constant dense<0> : vector<1xi32>
    %reduce_sum3A_1290 = vector.multi_reduction <add>, %reduce_sum3A_1288, %reduce_sum3A_1289 [1, 2] : vector<1x32x128xi32> to vector<1xi32>
    %reduce_sum3A_1291 = vector.shape_cast %reduce_sum3A_1290 : vector<1xi32> to vector<1x1x1xi32>
    %reduce_sum3A_1292 = vector.extract %reduce_sum3A_1291[0, 0, 0] : i32 from vector<1x1x1xi32>
    %le3A_1293 = arith.constant 3072 : i32
    %le3A_1294 = arith.cmpi sle, %reduce_sum3A_1292, %le3A_1293 : i32
    %select_n3A_1295 = arith.select %le3A_1294, %add3A_1284, %select_n3A_1282 : i32
    %add3A_1296 = arith.constant 536870912 : i32
    %add3A_1297 = arith.addi %select_n3A_1295, %add3A_1296 : i32
    %lt3A_1298 = vector.broadcast %add3A_1297 : i32 to vector<32x128xi32>
    %lt3A_1299 = arith.cmpi slt, %select_n3A, %lt3A_1298 : vector<32x128xi32>
    %convert_element_type3A_1300 = arith.extui %lt3A_1299 : vector<32x128xi1> to vector<32x128xi32>
    %reduce_sum3A_1301 = vector.shape_cast %convert_element_type3A_1300 : vector<32x128xi32> to vector<1x32x128xi32>
    %reduce_sum3A_1302 = arith.constant dense<0> : vector<1xi32>
    %reduce_sum3A_1303 = vector.multi_reduction <add>, %reduce_sum3A_1301, %reduce_sum3A_1302 [1, 2] : vector<1x32x128xi32> to vector<1xi32>
    %reduce_sum3A_1304 = vector.shape_cast %reduce_sum3A_1303 : vector<1xi32> to vector<1x1x1xi32>
    %reduce_sum3A_1305 = vector.extract %reduce_sum3A_1304[0, 0, 0] : i32 from vector<1x1x1xi32>
    %le3A_1306 = arith.constant 3072 : i32
    %le3A_1307 = arith.cmpi sle, %reduce_sum3A_1305, %le3A_1306 : i32
    %select_n3A_1308 = arith.select %le3A_1307, %add3A_1297, %select_n3A_1295 : i32
    %add3A_1309 = arith.constant 268435456 : i32
    %add3A_1310 = arith.addi %select_n3A_1308, %add3A_1309 : i32
    %lt3A_1311 = vector.broadcast %add3A_1310 : i32 to vector<32x128xi32>
    %lt3A_1312 = arith.cmpi slt, %select_n3A, %lt3A_1311 : vector<32x128xi32>
    %convert_element_type3A_1313 = arith.extui %lt3A_1312 : vector<32x128xi1> to vector<32x128xi32>
    %reduce_sum3A_1314 = vector.shape_cast %convert_element_type3A_1313 : vector<32x128xi32> to vector<1x32x128xi32>
    %reduce_sum3A_1315 = arith.constant dense<0> : vector<1xi32>
    %reduce_sum3A_1316 = vector.multi_reduction <add>, %reduce_sum3A_1314, %reduce_sum3A_1315 [1, 2] : vector<1x32x128xi32> to vector<1xi32>
    %reduce_sum3A_1317 = vector.shape_cast %reduce_sum3A_1316 : vector<1xi32> to vector<1x1x1xi32>
    %reduce_sum3A_1318 = vector.extract %reduce_sum3A_1317[0, 0, 0] : i32 from vector<1x1x1xi32>
    %le3A_1319 = arith.constant 3072 : i32
    %le3A_1320 = arith.cmpi sle, %reduce_sum3A_1318, %le3A_1319 : i32
    %select_n3A_1321 = arith.select %le3A_1320, %add3A_1310, %select_n3A_1308 : i32
    %add3A_1322 = arith.constant 134217728 : i32
    %add3A_1323 = arith.addi %select_n3A_1321, %add3A_1322 : i32
    %lt3A_1324 = vector.broadcast %add3A_1323 : i32 to vector<32x128xi32>
    %lt3A_1325 = arith.cmpi slt, %select_n3A, %lt3A_1324 : vector<32x128xi32>
    %convert_element_type3A_1326 = arith.extui %lt3A_1325 : vector<32x128xi1> to vector<32x128xi32>
    %reduce_sum3A_1327 = vector.shape_cast %convert_element_type3A_1326 : vector<32x128xi32> to vector<1x32x128xi32>
    %reduce_sum3A_1328 = arith.constant dense<0> : vector<1xi32>
    %reduce_sum3A_1329 = vector.multi_reduction <add>, %reduce_sum3A_1327, %reduce_sum3A_1328 [1, 2] : vector<1x32x128xi32> to vector<1xi32>
    %reduce_sum3A_1330 = vector.shape_cast %reduce_sum3A_1329 : vector<1xi32> to vector<1x1x1xi32>
    %reduce_sum3A_1331 = vector.extract %reduce_sum3A_1330[0, 0, 0] : i32 from vector<1x1x1xi32>
    %le3A_1332 = arith.constant 3072 : i32
    %le3A_1333 = arith.cmpi sle, %reduce_sum3A_1331, %le3A_1332 : i32
    %select_n3A_1334 = arith.select %le3A_1333, %add3A_1323, %select_n3A_1321 : i32
    %add3A_1335 = arith.constant 67108864 : i32
    %add3A_1336 = arith.addi %select_n3A_1334, %add3A_1335 : i32
    %lt3A_1337 = vector.broadcast %add3A_1336 : i32 to vector<32x128xi32>
    %lt3A_1338 = arith.cmpi slt, %select_n3A, %lt3A_1337 : vector<32x128xi32>
    %convert_element_type3A_1339 = arith.extui %lt3A_1338 : vector<32x128xi1> to vector<32x128xi32>
    %reduce_sum3A_1340 = vector.shape_cast %convert_element_type3A_1339 : vector<32x128xi32> to vector<1x32x128xi32>
    %reduce_sum3A_1341 = arith.constant dense<0> : vector<1xi32>
    %reduce_sum3A_1342 = vector.multi_reduction <add>, %reduce_sum3A_1340, %reduce_sum3A_1341 [1, 2] : vector<1x32x128xi32> to vector<1xi32>
    %reduce_sum3A_1343 = vector.shape_cast %reduce_sum3A_1342 : vector<1xi32> to vector<1x1x1xi32>
    %reduce_sum3A_1344 = vector.extract %reduce_sum3A_1343[0, 0, 0] : i32 from vector<1x1x1xi32>
    %le3A_1345 = arith.constant 3072 : i32
    %le3A_1346 = arith.cmpi sle, %reduce_sum3A_1344, %le3A_1345 : i32
    %select_n3A_1347 = arith.select %le3A_1346, %add3A_1336, %select_n3A_1334 : i32
    %add3A_1348 = arith.constant 33554432 : i32
    %add3A_1349 = arith.addi %select_n3A_1347, %add3A_1348 : i32
    %lt3A_1350 = vector.broadcast %add3A_1349 : i32 to vector<32x128xi32>
    %lt3A_1351 = arith.cmpi slt, %select_n3A, %lt3A_1350 : vector<32x128xi32>
    %convert_element_type3A_1352 = arith.extui %lt3A_1351 : vector<32x128xi1> to vector<32x128xi32>
    %reduce_sum3A_1353 = vector.shape_cast %convert_element_type3A_1352 : vector<32x128xi32> to vector<1x32x128xi32>
    %reduce_sum3A_1354 = arith.constant dense<0> : vector<1xi32>
    %reduce_sum3A_1355 = vector.multi_reduction <add>, %reduce_sum3A_1353, %reduce_sum3A_1354 [1, 2] : vector<1x32x128xi32> to vector<1xi32>
    %reduce_sum3A_1356 = vector.shape_cast %reduce_sum3A_1355 : vector<1xi32> to vector<1x1x1xi32>
    %reduce_sum3A_1357 = vector.extract %reduce_sum3A_1356[0, 0, 0] : i32 from vector<1x1x1xi32>
    %le3A_1358 = arith.constant 3072 : i32
    %le3A_1359 = arith.cmpi sle, %reduce_sum3A_1357, %le3A_1358 : i32
    %select_n3A_1360 = arith.select %le3A_1359, %add3A_1349, %select_n3A_1347 : i32
    %add3A_1361 = arith.constant 16777216 : i32
    %add3A_1362 = arith.addi %select_n3A_1360, %add3A_1361 : i32
    %lt3A_1363 = vector.broadcast %add3A_1362 : i32 to vector<32x128xi32>
    %lt3A_1364 = arith.cmpi slt, %select_n3A, %lt3A_1363 : vector<32x128xi32>
    %convert_element_type3A_1365 = arith.extui %lt3A_1364 : vector<32x128xi1> to vector<32x128xi32>
    %reduce_sum3A_1366 = vector.shape_cast %convert_element_type3A_1365 : vector<32x128xi32> to vector<1x32x128xi32>
    %reduce_sum3A_1367 = arith.constant dense<0> : vector<1xi32>
    %reduce_sum3A_1368 = vector.multi_reduction <add>, %reduce_sum3A_1366, %reduce_sum3A_1367 [1, 2] : vector<1x32x128xi32> to vector<1xi32>
    %reduce_sum3A_1369 = vector.shape_cast %reduce_sum3A_1368 : vector<1xi32> to vector<1x1x1xi32>
    %reduce_sum3A_1370 = vector.extract %reduce_sum3A_1369[0, 0, 0] : i32 from vector<1x1x1xi32>
    %le3A_1371 = arith.constant 3072 : i32
    %le3A_1372 = arith.cmpi sle, %reduce_sum3A_1370, %le3A_1371 : i32
    %select_n3A_1373 = arith.select %le3A_1372, %add3A_1362, %select_n3A_1360 : i32
    %add3A_1374 = arith.constant 8388608 : i32
    %add3A_1375 = arith.addi %select_n3A_1373, %add3A_1374 : i32
    %lt3A_1376 = vector.broadcast %add3A_1375 : i32 to vector<32x128xi32>
    %lt3A_1377 = arith.cmpi slt, %select_n3A, %lt3A_1376 : vector<32x128xi32>
    %convert_element_type3A_1378 = arith.extui %lt3A_1377 : vector<32x128xi1> to vector<32x128xi32>
    %reduce_sum3A_1379 = vector.shape_cast %convert_element_type3A_1378 : vector<32x128xi32> to vector<1x32x128xi32>
    %reduce_sum3A_1380 = arith.constant dense<0> : vector<1xi32>
    %reduce_sum3A_1381 = vector.multi_reduction <add>, %reduce_sum3A_1379, %reduce_sum3A_1380 [1, 2] : vector<1x32x128xi32> to vector<1xi32>
    %reduce_sum3A_1382 = vector.shape_cast %reduce_sum3A_1381 : vector<1xi32> to vector<1x1x1xi32>
    %reduce_sum3A_1383 = vector.extract %reduce_sum3A_1382[0, 0, 0] : i32 from vector<1x1x1xi32>
    %le3A_1384 = arith.constant 3072 : i32
    %le3A_1385 = arith.cmpi sle, %reduce_sum3A_1383, %le3A_1384 : i32
    %select_n3A_1386 = arith.select %le3A_1385, %add3A_1375, %select_n3A_1373 : i32
    %add3A_1387 = arith.constant 4194304 : i32
    %add3A_1388 = arith.addi %select_n3A_1386, %add3A_1387 : i32
    %lt3A_1389 = vector.broadcast %add3A_1388 : i32 to vector<32x128xi32>
    %lt3A_1390 = arith.cmpi slt, %select_n3A, %lt3A_1389 : vector<32x128xi32>
    %convert_element_type3A_1391 = arith.extui %lt3A_1390 : vector<32x128xi1> to vector<32x128xi32>
    %reduce_sum3A_1392 = vector.shape_cast %convert_element_type3A_1391 : vector<32x128xi32> to vector<1x32x128xi32>
    %reduce_sum3A_1393 = arith.constant dense<0> : vector<1xi32>
    %reduce_sum3A_1394 = vector.multi_reduction <add>, %reduce_sum3A_1392, %reduce_sum3A_1393 [1, 2] : vector<1x32x128xi32> to vector<1xi32>
    %reduce_sum3A_1395 = vector.shape_cast %reduce_sum3A_1394 : vector<1xi32> to vector<1x1x1xi32>
    %reduce_sum3A_1396 = vector.extract %reduce_sum3A_1395[0, 0, 0] : i32 from vector<1x1x1xi32>
    %le3A_1397 = arith.constant 3072 : i32
    %le3A_1398 = arith.cmpi sle, %reduce_sum3A_1396, %le3A_1397 : i32
    %select_n3A_1399 = arith.select %le3A_1398, %add3A_1388, %select_n3A_1386 : i32
    %add3A_1400 = arith.constant 2097152 : i32
    %add3A_1401 = arith.addi %select_n3A_1399, %add3A_1400 : i32
    %lt3A_1402 = vector.broadcast %add3A_1401 : i32 to vector<32x128xi32>
    %lt3A_1403 = arith.cmpi slt, %select_n3A, %lt3A_1402 : vector<32x128xi32>
    %convert_element_type3A_1404 = arith.extui %lt3A_1403 : vector<32x128xi1> to vector<32x128xi32>
    %reduce_sum3A_1405 = vector.shape_cast %convert_element_type3A_1404 : vector<32x128xi32> to vector<1x32x128xi32>
    %reduce_sum3A_1406 = arith.constant dense<0> : vector<1xi32>
    %reduce_sum3A_1407 = vector.multi_reduction <add>, %reduce_sum3A_1405, %reduce_sum3A_1406 [1, 2] : vector<1x32x128xi32> to vector<1xi32>
    %reduce_sum3A_1408 = vector.shape_cast %reduce_sum3A_1407 : vector<1xi32> to vector<1x1x1xi32>
    %reduce_sum3A_1409 = vector.extract %reduce_sum3A_1408[0, 0, 0] : i32 from vector<1x1x1xi32>
    %le3A_1410 = arith.constant 3072 : i32
    %le3A_1411 = arith.cmpi sle, %reduce_sum3A_1409, %le3A_1410 : i32
    %select_n3A_1412 = arith.select %le3A_1411, %add3A_1401, %select_n3A_1399 : i32
    %add3A_1413 = arith.constant 1048576 : i32
    %add3A_1414 = arith.addi %select_n3A_1412, %add3A_1413 : i32
    %lt3A_1415 = vector.broadcast %add3A_1414 : i32 to vector<32x128xi32>
    %lt3A_1416 = arith.cmpi slt, %select_n3A, %lt3A_1415 : vector<32x128xi32>
    %convert_element_type3A_1417 = arith.extui %lt3A_1416 : vector<32x128xi1> to vector<32x128xi32>
    %reduce_sum3A_1418 = vector.shape_cast %convert_element_type3A_1417 : vector<32x128xi32> to vector<1x32x128xi32>
    %reduce_sum3A_1419 = arith.constant dense<0> : vector<1xi32>
    %reduce_sum3A_1420 = vector.multi_reduction <add>, %reduce_sum3A_1418, %reduce_sum3A_1419 [1, 2] : vector<1x32x128xi32> to vector<1xi32>
    %reduce_sum3A_1421 = vector.shape_cast %reduce_sum3A_1420 : vector<1xi32> to vector<1x1x1xi32>
    %reduce_sum3A_1422 = vector.extract %reduce_sum3A_1421[0, 0, 0] : i32 from vector<1x1x1xi32>
    %le3A_1423 = arith.constant 3072 : i32
    %le3A_1424 = arith.cmpi sle, %reduce_sum3A_1422, %le3A_1423 : i32
    %select_n3A_1425 = arith.select %le3A_1424, %add3A_1414, %select_n3A_1412 : i32
    %add3A_1426 = arith.constant 524288 : i32
    %add3A_1427 = arith.addi %select_n3A_1425, %add3A_1426 : i32
    %lt3A_1428 = vector.broadcast %add3A_1427 : i32 to vector<32x128xi32>
    %lt3A_1429 = arith.cmpi slt, %select_n3A, %lt3A_1428 : vector<32x128xi32>
    %convert_element_type3A_1430 = arith.extui %lt3A_1429 : vector<32x128xi1> to vector<32x128xi32>
    %reduce_sum3A_1431 = vector.shape_cast %convert_element_type3A_1430 : vector<32x128xi32> to vector<1x32x128xi32>
    %reduce_sum3A_1432 = arith.constant dense<0> : vector<1xi32>
    %reduce_sum3A_1433 = vector.multi_reduction <add>, %reduce_sum3A_1431, %reduce_sum3A_1432 [1, 2] : vector<1x32x128xi32> to vector<1xi32>
    %reduce_sum3A_1434 = vector.shape_cast %reduce_sum3A_1433 : vector<1xi32> to vector<1x1x1xi32>
    %reduce_sum3A_1435 = vector.extract %reduce_sum3A_1434[0, 0, 0] : i32 from vector<1x1x1xi32>
    %le3A_1436 = arith.constant 3072 : i32
    %le3A_1437 = arith.cmpi sle, %reduce_sum3A_1435, %le3A_1436 : i32
    %select_n3A_1438 = arith.select %le3A_1437, %add3A_1427, %select_n3A_1425 : i32
    %add3A_1439 = arith.constant 262144 : i32
    %add3A_1440 = arith.addi %select_n3A_1438, %add3A_1439 : i32
    %lt3A_1441 = vector.broadcast %add3A_1440 : i32 to vector<32x128xi32>
    %lt3A_1442 = arith.cmpi slt, %select_n3A, %lt3A_1441 : vector<32x128xi32>
    %convert_element_type3A_1443 = arith.extui %lt3A_1442 : vector<32x128xi1> to vector<32x128xi32>
    %reduce_sum3A_1444 = vector.shape_cast %convert_element_type3A_1443 : vector<32x128xi32> to vector<1x32x128xi32>
    %reduce_sum3A_1445 = arith.constant dense<0> : vector<1xi32>
    %reduce_sum3A_1446 = vector.multi_reduction <add>, %reduce_sum3A_1444, %reduce_sum3A_1445 [1, 2] : vector<1x32x128xi32> to vector<1xi32>
    %reduce_sum3A_1447 = vector.shape_cast %reduce_sum3A_1446 : vector<1xi32> to vector<1x1x1xi32>
    %reduce_sum3A_1448 = vector.extract %reduce_sum3A_1447[0, 0, 0] : i32 from vector<1x1x1xi32>
    %le3A_1449 = arith.constant 3072 : i32
    %le3A_1450 = arith.cmpi sle, %reduce_sum3A_1448, %le3A_1449 : i32
    %select_n3A_1451 = arith.select %le3A_1450, %add3A_1440, %select_n3A_1438 : i32
    %add3A_1452 = arith.constant 131072 : i32
    %add3A_1453 = arith.addi %select_n3A_1451, %add3A_1452 : i32
    %lt3A_1454 = vector.broadcast %add3A_1453 : i32 to vector<32x128xi32>
    %lt3A_1455 = arith.cmpi slt, %select_n3A, %lt3A_1454 : vector<32x128xi32>
    %convert_element_type3A_1456 = arith.extui %lt3A_1455 : vector<32x128xi1> to vector<32x128xi32>
    %reduce_sum3A_1457 = vector.shape_cast %convert_element_type3A_1456 : vector<32x128xi32> to vector<1x32x128xi32>
    %reduce_sum3A_1458 = arith.constant dense<0> : vector<1xi32>
    %reduce_sum3A_1459 = vector.multi_reduction <add>, %reduce_sum3A_1457, %reduce_sum3A_1458 [1, 2] : vector<1x32x128xi32> to vector<1xi32>
    %reduce_sum3A_1460 = vector.shape_cast %reduce_sum3A_1459 : vector<1xi32> to vector<1x1x1xi32>
    %reduce_sum3A_1461 = vector.extract %reduce_sum3A_1460[0, 0, 0] : i32 from vector<1x1x1xi32>
    %le3A_1462 = arith.constant 3072 : i32
    %le3A_1463 = arith.cmpi sle, %reduce_sum3A_1461, %le3A_1462 : i32
    %select_n3A_1464 = arith.select %le3A_1463, %add3A_1453, %select_n3A_1451 : i32
    %add3A_1465 = arith.constant 65536 : i32
    %add3A_1466 = arith.addi %select_n3A_1464, %add3A_1465 : i32
    %lt3A_1467 = vector.broadcast %add3A_1466 : i32 to vector<32x128xi32>
    %lt3A_1468 = arith.cmpi slt, %select_n3A, %lt3A_1467 : vector<32x128xi32>
    %convert_element_type3A_1469 = arith.extui %lt3A_1468 : vector<32x128xi1> to vector<32x128xi32>
    %reduce_sum3A_1470 = vector.shape_cast %convert_element_type3A_1469 : vector<32x128xi32> to vector<1x32x128xi32>
    %reduce_sum3A_1471 = arith.constant dense<0> : vector<1xi32>
    %reduce_sum3A_1472 = vector.multi_reduction <add>, %reduce_sum3A_1470, %reduce_sum3A_1471 [1, 2] : vector<1x32x128xi32> to vector<1xi32>
    %reduce_sum3A_1473 = vector.shape_cast %reduce_sum3A_1472 : vector<1xi32> to vector<1x1x1xi32>
    %reduce_sum3A_1474 = vector.extract %reduce_sum3A_1473[0, 0, 0] : i32 from vector<1x1x1xi32>
    %le3A_1475 = arith.constant 3072 : i32
    %le3A_1476 = arith.cmpi sle, %reduce_sum3A_1474, %le3A_1475 : i32
    %select_n3A_1477 = arith.select %le3A_1476, %add3A_1466, %select_n3A_1464 : i32
    %add3A_1478 = arith.constant 32768 : i32
    %add3A_1479 = arith.addi %select_n3A_1477, %add3A_1478 : i32
    %lt3A_1480 = vector.broadcast %add3A_1479 : i32 to vector<32x128xi32>
    %lt3A_1481 = arith.cmpi slt, %select_n3A, %lt3A_1480 : vector<32x128xi32>
    %convert_element_type3A_1482 = arith.extui %lt3A_1481 : vector<32x128xi1> to vector<32x128xi32>
    %reduce_sum3A_1483 = vector.shape_cast %convert_element_type3A_1482 : vector<32x128xi32> to vector<1x32x128xi32>
    %reduce_sum3A_1484 = arith.constant dense<0> : vector<1xi32>
    %reduce_sum3A_1485 = vector.multi_reduction <add>, %reduce_sum3A_1483, %reduce_sum3A_1484 [1, 2] : vector<1x32x128xi32> to vector<1xi32>
    %reduce_sum3A_1486 = vector.shape_cast %reduce_sum3A_1485 : vector<1xi32> to vector<1x1x1xi32>
    %reduce_sum3A_1487 = vector.extract %reduce_sum3A_1486[0, 0, 0] : i32 from vector<1x1x1xi32>
    %le3A_1488 = arith.constant 3072 : i32
    %le3A_1489 = arith.cmpi sle, %reduce_sum3A_1487, %le3A_1488 : i32
    %select_n3A_1490 = arith.select %le3A_1489, %add3A_1479, %select_n3A_1477 : i32
    %add3A_1491 = arith.constant 16384 : i32
    %add3A_1492 = arith.addi %select_n3A_1490, %add3A_1491 : i32
    %lt3A_1493 = vector.broadcast %add3A_1492 : i32 to vector<32x128xi32>
    %lt3A_1494 = arith.cmpi slt, %select_n3A, %lt3A_1493 : vector<32x128xi32>
    %convert_element_type3A_1495 = arith.extui %lt3A_1494 : vector<32x128xi1> to vector<32x128xi32>
    %reduce_sum3A_1496 = vector.shape_cast %convert_element_type3A_1495 : vector<32x128xi32> to vector<1x32x128xi32>
    %reduce_sum3A_1497 = arith.constant dense<0> : vector<1xi32>
    %reduce_sum3A_1498 = vector.multi_reduction <add>, %reduce_sum3A_1496, %reduce_sum3A_1497 [1, 2] : vector<1x32x128xi32> to vector<1xi32>
    %reduce_sum3A_1499 = vector.shape_cast %reduce_sum3A_1498 : vector<1xi32> to vector<1x1x1xi32>
    %reduce_sum3A_1500 = vector.extract %reduce_sum3A_1499[0, 0, 0] : i32 from vector<1x1x1xi32>
    %le3A_1501 = arith.constant 3072 : i32
    %le3A_1502 = arith.cmpi sle, %reduce_sum3A_1500, %le3A_1501 : i32
    %select_n3A_1503 = arith.select %le3A_1502, %add3A_1492, %select_n3A_1490 : i32
    %add3A_1504 = arith.constant 8192 : i32
    %add3A_1505 = arith.addi %select_n3A_1503, %add3A_1504 : i32
    %lt3A_1506 = vector.broadcast %add3A_1505 : i32 to vector<32x128xi32>
    %lt3A_1507 = arith.cmpi slt, %select_n3A, %lt3A_1506 : vector<32x128xi32>
    %convert_element_type3A_1508 = arith.extui %lt3A_1507 : vector<32x128xi1> to vector<32x128xi32>
    %reduce_sum3A_1509 = vector.shape_cast %convert_element_type3A_1508 : vector<32x128xi32> to vector<1x32x128xi32>
    %reduce_sum3A_1510 = arith.constant dense<0> : vector<1xi32>
    %reduce_sum3A_1511 = vector.multi_reduction <add>, %reduce_sum3A_1509, %reduce_sum3A_1510 [1, 2] : vector<1x32x128xi32> to vector<1xi32>
    %reduce_sum3A_1512 = vector.shape_cast %reduce_sum3A_1511 : vector<1xi32> to vector<1x1x1xi32>
    %reduce_sum3A_1513 = vector.extract %reduce_sum3A_1512[0, 0, 0] : i32 from vector<1x1x1xi32>
    %le3A_1514 = arith.constant 3072 : i32
    %le3A_1515 = arith.cmpi sle, %reduce_sum3A_1513, %le3A_1514 : i32
    %select_n3A_1516 = arith.select %le3A_1515, %add3A_1505, %select_n3A_1503 : i32
    %add3A_1517 = arith.constant 4096 : i32
    %add3A_1518 = arith.addi %select_n3A_1516, %add3A_1517 : i32
    %lt3A_1519 = vector.broadcast %add3A_1518 : i32 to vector<32x128xi32>
    %lt3A_1520 = arith.cmpi slt, %select_n3A, %lt3A_1519 : vector<32x128xi32>
    %convert_element_type3A_1521 = arith.extui %lt3A_1520 : vector<32x128xi1> to vector<32x128xi32>
    %reduce_sum3A_1522 = vector.shape_cast %convert_element_type3A_1521 : vector<32x128xi32> to vector<1x32x128xi32>
    %reduce_sum3A_1523 = arith.constant dense<0> : vector<1xi32>
    %reduce_sum3A_1524 = vector.multi_reduction <add>, %reduce_sum3A_1522, %reduce_sum3A_1523 [1, 2] : vector<1x32x128xi32> to vector<1xi32>
    %reduce_sum3A_1525 = vector.shape_cast %reduce_sum3A_1524 : vector<1xi32> to vector<1x1x1xi32>
    %reduce_sum3A_1526 = vector.extract %reduce_sum3A_1525[0, 0, 0] : i32 from vector<1x1x1xi32>
    %le3A_1527 = arith.constant 3072 : i32
    %le3A_1528 = arith.cmpi sle, %reduce_sum3A_1526, %le3A_1527 : i32
    %select_n3A_1529 = arith.select %le3A_1528, %add3A_1518, %select_n3A_1516 : i32
    %add3A_1530 = arith.constant 2048 : i32
    %add3A_1531 = arith.addi %select_n3A_1529, %add3A_1530 : i32
    %lt3A_1532 = vector.broadcast %add3A_1531 : i32 to vector<32x128xi32>
    %lt3A_1533 = arith.cmpi slt, %select_n3A, %lt3A_1532 : vector<32x128xi32>
    %convert_element_type3A_1534 = arith.extui %lt3A_1533 : vector<32x128xi1> to vector<32x128xi32>
    %reduce_sum3A_1535 = vector.shape_cast %convert_element_type3A_1534 : vector<32x128xi32> to vector<1x32x128xi32>
    %reduce_sum3A_1536 = arith.constant dense<0> : vector<1xi32>
    %reduce_sum3A_1537 = vector.multi_reduction <add>, %reduce_sum3A_1535, %reduce_sum3A_1536 [1, 2] : vector<1x32x128xi32> to vector<1xi32>
    %reduce_sum3A_1538 = vector.shape_cast %reduce_sum3A_1537 : vector<1xi32> to vector<1x1x1xi32>
    %reduce_sum3A_1539 = vector.extract %reduce_sum3A_1538[0, 0, 0] : i32 from vector<1x1x1xi32>
    %le3A_1540 = arith.constant 3072 : i32
    %le3A_1541 = arith.cmpi sle, %reduce_sum3A_1539, %le3A_1540 : i32
    %select_n3A_1542 = arith.select %le3A_1541, %add3A_1531, %select_n3A_1529 : i32
    %add3A_1543 = arith.constant 1024 : i32
    %add3A_1544 = arith.addi %select_n3A_1542, %add3A_1543 : i32
    %lt3A_1545 = vector.broadcast %add3A_1544 : i32 to vector<32x128xi32>
    %lt3A_1546 = arith.cmpi slt, %select_n3A, %lt3A_1545 : vector<32x128xi32>
    %convert_element_type3A_1547 = arith.extui %lt3A_1546 : vector<32x128xi1> to vector<32x128xi32>
    %reduce_sum3A_1548 = vector.shape_cast %convert_element_type3A_1547 : vector<32x128xi32> to vector<1x32x128xi32>
    %reduce_sum3A_1549 = arith.constant dense<0> : vector<1xi32>
    %reduce_sum3A_1550 = vector.multi_reduction <add>, %reduce_sum3A_1548, %reduce_sum3A_1549 [1, 2] : vector<1x32x128xi32> to vector<1xi32>
    %reduce_sum3A_1551 = vector.shape_cast %reduce_sum3A_1550 : vector<1xi32> to vector<1x1x1xi32>
    %reduce_sum3A_1552 = vector.extract %reduce_sum3A_1551[0, 0, 0] : i32 from vector<1x1x1xi32>
    %le3A_1553 = arith.constant 3072 : i32
    %le3A_1554 = arith.cmpi sle, %reduce_sum3A_1552, %le3A_1553 : i32
    %select_n3A_1555 = arith.select %le3A_1554, %add3A_1544, %select_n3A_1542 : i32
    %add3A_1556 = arith.constant 512 : i32
    %add3A_1557 = arith.addi %select_n3A_1555, %add3A_1556 : i32
    %lt3A_1558 = vector.broadcast %add3A_1557 : i32 to vector<32x128xi32>
    %lt3A_1559 = arith.cmpi slt, %select_n3A, %lt3A_1558 : vector<32x128xi32>
    %convert_element_type3A_1560 = arith.extui %lt3A_1559 : vector<32x128xi1> to vector<32x128xi32>
    %reduce_sum3A_1561 = vector.shape_cast %convert_element_type3A_1560 : vector<32x128xi32> to vector<1x32x128xi32>
    %reduce_sum3A_1562 = arith.constant dense<0> : vector<1xi32>
    %reduce_sum3A_1563 = vector.multi_reduction <add>, %reduce_sum3A_1561, %reduce_sum3A_1562 [1, 2] : vector<1x32x128xi32> to vector<1xi32>
    %reduce_sum3A_1564 = vector.shape_cast %reduce_sum3A_1563 : vector<1xi32> to vector<1x1x1xi32>
    %reduce_sum3A_1565 = vector.extract %reduce_sum3A_1564[0, 0, 0] : i32 from vector<1x1x1xi32>
    %le3A_1566 = arith.constant 3072 : i32
    %le3A_1567 = arith.cmpi sle, %reduce_sum3A_1565, %le3A_1566 : i32
    %select_n3A_1568 = arith.select %le3A_1567, %add3A_1557, %select_n3A_1555 : i32
    %add3A_1569 = arith.constant 256 : i32
    %add3A_1570 = arith.addi %select_n3A_1568, %add3A_1569 : i32
    %lt3A_1571 = vector.broadcast %add3A_1570 : i32 to vector<32x128xi32>
    %lt3A_1572 = arith.cmpi slt, %select_n3A, %lt3A_1571 : vector<32x128xi32>
    %convert_element_type3A_1573 = arith.extui %lt3A_1572 : vector<32x128xi1> to vector<32x128xi32>
    %reduce_sum3A_1574 = vector.shape_cast %convert_element_type3A_1573 : vector<32x128xi32> to vector<1x32x128xi32>
    %reduce_sum3A_1575 = arith.constant dense<0> : vector<1xi32>
    %reduce_sum3A_1576 = vector.multi_reduction <add>, %reduce_sum3A_1574, %reduce_sum3A_1575 [1, 2] : vector<1x32x128xi32> to vector<1xi32>
    %reduce_sum3A_1577 = vector.shape_cast %reduce_sum3A_1576 : vector<1xi32> to vector<1x1x1xi32>
    %reduce_sum3A_1578 = vector.extract %reduce_sum3A_1577[0, 0, 0] : i32 from vector<1x1x1xi32>
    %le3A_1579 = arith.constant 3072 : i32
    %le3A_1580 = arith.cmpi sle, %reduce_sum3A_1578, %le3A_1579 : i32
    %select_n3A_1581 = arith.select %le3A_1580, %add3A_1570, %select_n3A_1568 : i32
    %add3A_1582 = arith.constant 128 : i32
    %add3A_1583 = arith.addi %select_n3A_1581, %add3A_1582 : i32
    %lt3A_1584 = vector.broadcast %add3A_1583 : i32 to vector<32x128xi32>
    %lt3A_1585 = arith.cmpi slt, %select_n3A, %lt3A_1584 : vector<32x128xi32>
    %convert_element_type3A_1586 = arith.extui %lt3A_1585 : vector<32x128xi1> to vector<32x128xi32>
    %reduce_sum3A_1587 = vector.shape_cast %convert_element_type3A_1586 : vector<32x128xi32> to vector<1x32x128xi32>
    %reduce_sum3A_1588 = arith.constant dense<0> : vector<1xi32>
    %reduce_sum3A_1589 = vector.multi_reduction <add>, %reduce_sum3A_1587, %reduce_sum3A_1588 [1, 2] : vector<1x32x128xi32> to vector<1xi32>
    %reduce_sum3A_1590 = vector.shape_cast %reduce_sum3A_1589 : vector<1xi32> to vector<1x1x1xi32>
    %reduce_sum3A_1591 = vector.extract %reduce_sum3A_1590[0, 0, 0] : i32 from vector<1x1x1xi32>
    %le3A_1592 = arith.constant 3072 : i32
    %le3A_1593 = arith.cmpi sle, %reduce_sum3A_1591, %le3A_1592 : i32
    %select_n3A_1594 = arith.select %le3A_1593, %add3A_1583, %select_n3A_1581 : i32
    %add3A_1595 = arith.constant 64 : i32
    %add3A_1596 = arith.addi %select_n3A_1594, %add3A_1595 : i32
    %lt3A_1597 = vector.broadcast %add3A_1596 : i32 to vector<32x128xi32>
    %lt3A_1598 = arith.cmpi slt, %select_n3A, %lt3A_1597 : vector<32x128xi32>
    %convert_element_type3A_1599 = arith.extui %lt3A_1598 : vector<32x128xi1> to vector<32x128xi32>
    %reduce_sum3A_1600 = vector.shape_cast %convert_element_type3A_1599 : vector<32x128xi32> to vector<1x32x128xi32>
    %reduce_sum3A_1601 = arith.constant dense<0> : vector<1xi32>
    %reduce_sum3A_1602 = vector.multi_reduction <add>, %reduce_sum3A_1600, %reduce_sum3A_1601 [1, 2] : vector<1x32x128xi32> to vector<1xi32>
    %reduce_sum3A_1603 = vector.shape_cast %reduce_sum3A_1602 : vector<1xi32> to vector<1x1x1xi32>
    %reduce_sum3A_1604 = vector.extract %reduce_sum3A_1603[0, 0, 0] : i32 from vector<1x1x1xi32>
    %le3A_1605 = arith.constant 3072 : i32
    %le3A_1606 = arith.cmpi sle, %reduce_sum3A_1604, %le3A_1605 : i32
    %select_n3A_1607 = arith.select %le3A_1606, %add3A_1596, %select_n3A_1594 : i32
    %add3A_1608 = arith.constant 32 : i32
    %add3A_1609 = arith.addi %select_n3A_1607, %add3A_1608 : i32
    %lt3A_1610 = vector.broadcast %add3A_1609 : i32 to vector<32x128xi32>
    %lt3A_1611 = arith.cmpi slt, %select_n3A, %lt3A_1610 : vector<32x128xi32>
    %convert_element_type3A_1612 = arith.extui %lt3A_1611 : vector<32x128xi1> to vector<32x128xi32>
    %reduce_sum3A_1613 = vector.shape_cast %convert_element_type3A_1612 : vector<32x128xi32> to vector<1x32x128xi32>
    %reduce_sum3A_1614 = arith.constant dense<0> : vector<1xi32>
    %reduce_sum3A_1615 = vector.multi_reduction <add>, %reduce_sum3A_1613, %reduce_sum3A_1614 [1, 2] : vector<1x32x128xi32> to vector<1xi32>
    %reduce_sum3A_1616 = vector.shape_cast %reduce_sum3A_1615 : vector<1xi32> to vector<1x1x1xi32>
    %reduce_sum3A_1617 = vector.extract %reduce_sum3A_1616[0, 0, 0] : i32 from vector<1x1x1xi32>
    %le3A_1618 = arith.constant 3072 : i32
    %le3A_1619 = arith.cmpi sle, %reduce_sum3A_1617, %le3A_1618 : i32
    %select_n3A_1620 = arith.select %le3A_1619, %add3A_1609, %select_n3A_1607 : i32
    %add3A_1621 = arith.constant 16 : i32
    %add3A_1622 = arith.addi %select_n3A_1620, %add3A_1621 : i32
    %lt3A_1623 = vector.broadcast %add3A_1622 : i32 to vector<32x128xi32>
    %lt3A_1624 = arith.cmpi slt, %select_n3A, %lt3A_1623 : vector<32x128xi32>
    %convert_element_type3A_1625 = arith.extui %lt3A_1624 : vector<32x128xi1> to vector<32x128xi32>
    %reduce_sum3A_1626 = vector.shape_cast %convert_element_type3A_1625 : vector<32x128xi32> to vector<1x32x128xi32>
    %reduce_sum3A_1627 = arith.constant dense<0> : vector<1xi32>
    %reduce_sum3A_1628 = vector.multi_reduction <add>, %reduce_sum3A_1626, %reduce_sum3A_1627 [1, 2] : vector<1x32x128xi32> to vector<1xi32>
    %reduce_sum3A_1629 = vector.shape_cast %reduce_sum3A_1628 : vector<1xi32> to vector<1x1x1xi32>
    %reduce_sum3A_1630 = vector.extract %reduce_sum3A_1629[0, 0, 0] : i32 from vector<1x1x1xi32>
    %le3A_1631 = arith.constant 3072 : i32
    %le3A_1632 = arith.cmpi sle, %reduce_sum3A_1630, %le3A_1631 : i32
    %select_n3A_1633 = arith.select %le3A_1632, %add3A_1622, %select_n3A_1620 : i32
    %add3A_1634 = arith.constant 8 : i32
    %add3A_1635 = arith.addi %select_n3A_1633, %add3A_1634 : i32
    %lt3A_1636 = vector.broadcast %add3A_1635 : i32 to vector<32x128xi32>
    %lt3A_1637 = arith.cmpi slt, %select_n3A, %lt3A_1636 : vector<32x128xi32>
    %convert_element_type3A_1638 = arith.extui %lt3A_1637 : vector<32x128xi1> to vector<32x128xi32>
    %reduce_sum3A_1639 = vector.shape_cast %convert_element_type3A_1638 : vector<32x128xi32> to vector<1x32x128xi32>
    %reduce_sum3A_1640 = arith.constant dense<0> : vector<1xi32>
    %reduce_sum3A_1641 = vector.multi_reduction <add>, %reduce_sum3A_1639, %reduce_sum3A_1640 [1, 2] : vector<1x32x128xi32> to vector<1xi32>
    %reduce_sum3A_1642 = vector.shape_cast %reduce_sum3A_1641 : vector<1xi32> to vector<1x1x1xi32>
    %reduce_sum3A_1643 = vector.extract %reduce_sum3A_1642[0, 0, 0] : i32 from vector<1x1x1xi32>
    %le3A_1644 = arith.constant 3072 : i32
    %le3A_1645 = arith.cmpi sle, %reduce_sum3A_1643, %le3A_1644 : i32
    %select_n3A_1646 = arith.select %le3A_1645, %add3A_1635, %select_n3A_1633 : i32
    %add3A_1647 = arith.constant 4 : i32
    %add3A_1648 = arith.addi %select_n3A_1646, %add3A_1647 : i32
    %lt3A_1649 = vector.broadcast %add3A_1648 : i32 to vector<32x128xi32>
    %lt3A_1650 = arith.cmpi slt, %select_n3A, %lt3A_1649 : vector<32x128xi32>
    %convert_element_type3A_1651 = arith.extui %lt3A_1650 : vector<32x128xi1> to vector<32x128xi32>
    %reduce_sum3A_1652 = vector.shape_cast %convert_element_type3A_1651 : vector<32x128xi32> to vector<1x32x128xi32>
    %reduce_sum3A_1653 = arith.constant dense<0> : vector<1xi32>
    %reduce_sum3A_1654 = vector.multi_reduction <add>, %reduce_sum3A_1652, %reduce_sum3A_1653 [1, 2] : vector<1x32x128xi32> to vector<1xi32>
    %reduce_sum3A_1655 = vector.shape_cast %reduce_sum3A_1654 : vector<1xi32> to vector<1x1x1xi32>
    %reduce_sum3A_1656 = vector.extract %reduce_sum3A_1655[0, 0, 0] : i32 from vector<1x1x1xi32>
    %le3A_1657 = arith.constant 3072 : i32
    %le3A_1658 = arith.cmpi sle, %reduce_sum3A_1656, %le3A_1657 : i32
    %select_n3A_1659 = arith.select %le3A_1658, %add3A_1648, %select_n3A_1646 : i32
    %add3A_1660 = arith.constant 2 : i32
    %add3A_1661 = arith.addi %select_n3A_1659, %add3A_1660 : i32
    %lt3A_1662 = vector.broadcast %add3A_1661 : i32 to vector<32x128xi32>
    %lt3A_1663 = arith.cmpi slt, %select_n3A, %lt3A_1662 : vector<32x128xi32>
    %convert_element_type3A_1664 = arith.extui %lt3A_1663 : vector<32x128xi1> to vector<32x128xi32>
    %reduce_sum3A_1665 = vector.shape_cast %convert_element_type3A_1664 : vector<32x128xi32> to vector<1x32x128xi32>
    %reduce_sum3A_1666 = arith.constant dense<0> : vector<1xi32>
    %reduce_sum3A_1667 = vector.multi_reduction <add>, %reduce_sum3A_1665, %reduce_sum3A_1666 [1, 2] : vector<1x32x128xi32> to vector<1xi32>
    %reduce_sum3A_1668 = vector.shape_cast %reduce_sum3A_1667 : vector<1xi32> to vector<1x1x1xi32>
    %reduce_sum3A_1669 = vector.extract %reduce_sum3A_1668[0, 0, 0] : i32 from vector<1x1x1xi32>
    %le3A_1670 = arith.constant 3072 : i32
    %le3A_1671 = arith.cmpi sle, %reduce_sum3A_1669, %le3A_1670 : i32
    %select_n3A_1672 = arith.select %le3A_1671, %add3A_1661, %select_n3A_1659 : i32
    %add3A_1673 = arith.constant 1 : i32
    %add3A_1674 = arith.addi %select_n3A_1672, %add3A_1673 : i32
    %lt3A_1675 = vector.broadcast %add3A_1674 : i32 to vector<32x128xi32>
    %lt3A_1676 = arith.cmpi slt, %select_n3A, %lt3A_1675 : vector<32x128xi32>
    %convert_element_type3A_1677 = arith.extui %lt3A_1676 : vector<32x128xi1> to vector<32x128xi32>
    %reduce_sum3A_1678 = vector.shape_cast %convert_element_type3A_1677 : vector<32x128xi32> to vector<1x32x128xi32>
    %reduce_sum3A_1679 = arith.constant dense<0> : vector<1xi32>
    %reduce_sum3A_1680 = vector.multi_reduction <add>, %reduce_sum3A_1678, %reduce_sum3A_1679 [1, 2] : vector<1x32x128xi32> to vector<1xi32>
    %reduce_sum3A_1681 = vector.shape_cast %reduce_sum3A_1680 : vector<1xi32> to vector<1x1x1xi32>
    %reduce_sum3A_1682 = vector.extract %reduce_sum3A_1681[0, 0, 0] : i32 from vector<1x1x1xi32>
    %le3A_1683 = arith.constant 3072 : i32
    %le3A_1684 = arith.cmpi sle, %reduce_sum3A_1682, %le3A_1683 : i32
    %select_n3A_1685 = arith.select %le3A_1684, %add3A_1674, %select_n3A_1672 : i32
    %ge3A_1686 = arith.constant 0 : i32
    %ge3A_1687 = arith.cmpi sge, %select_n3A_1685, %ge3A_1686 : i32
    %sub3A_1688 = arith.constant -2147483648 : i32
    %sub3A_1689 = arith.subi %sub3A_1688, %select_n3A_1685 : i32
    %select_n3A_1690 = arith.select %ge3A_1687, %select_n3A_1685, %sub3A_1689 : i32
    %bitcast_convert_type3A_1691 = arith.bitcast %select_n3A_1690 : i32 to f32
    %mul3A = arith.constant 2.500000e-01 : f32
    %mul3A_1692 = arith.mulf %bitcast_convert_type3A_422, %mul3A : f32
    %mul3A_1693 = arith.constant 7.500000e-01 : f32
    %mul3A_1694 = arith.mulf %bitcast_convert_type3A_845, %mul3A_1693 : f32
    %add3A_1695 = arith.addf %mul3A_1692, %mul3A_1694 : f32
    %mul3A_1696 = arith.constant 7.500000e-01 : f32
    %mul3A_1697 = arith.mulf %bitcast_convert_type3A_1268, %mul3A_1696 : f32
    %mul3A_1698 = arith.constant 2.500000e-01 : f32
    %mul3A_1699 = arith.mulf %bitcast_convert_type3A_1691, %mul3A_1698 : f32
    %add3A_1700 = arith.addf %mul3A_1697, %mul3A_1699 : f32
    %sub3A_1701 = vector.broadcast %add3A_1695 : f32 to vector<32x128xf32>
    %sub3A_1702 = arith.subf %get3A_1, %sub3A_1701 : vector<32x128xf32>
    %div3A = vector.broadcast %add3A_1700 : f32 to vector<32x128xf32>
    %div3A_1703 = arith.divf %sub3A_1702, %div3A : vector<32x128xf32>
    %mul3A_1704 = arith.constant 1.600000e+01 : f32
    %mul3A_1705 = vector.broadcast %mul3A_1704 : f32 to vector<32x128xf32>
    %mul3A_1706 = arith.mulf %div3A_1703, %mul3A_1705 : vector<32x128xf32>
    %mul3A_1707 = arith.constant 6.250000e-02 : f32
    %mul3A_1708 = vector.broadcast %mul3A_1707 : f32 to vector<32x128xf32>
    %mul3A_1709 = arith.mulf %mul3A_1706, %mul3A_1708 : vector<32x128xf32>
    %floor3A = math.floor %mul3A_1709 : vector<32x128xf32>
    %mul3A_1710 = arith.constant 1.600000e+01 : f32
    %mul3A_1711 = vector.broadcast %mul3A_1710 : f32 to vector<32x128xf32>
    %mul3A_1712 = arith.mulf %mul3A_1711, %floor3A : vector<32x128xf32>
    %sub3A_1713 = arith.subf %mul3A_1706, %mul3A_1712 : vector<32x128xf32>
    %round3A = math.roundeven %sub3A_1713 : vector<32x128xf32>
    %convert_element_type3A_1714 = arith.fptosi %round3A : vector<32x128xf32> to vector<32x128xi32>
    %jit3A_1715 = arith.constant 16 : i32
    %eq3A = arith.constant 0 : i32
    %eq3A_1716 = arith.cmpi eq, %jit3A_1715, %eq3A : i32
    %jit3A_1717 = arith.constant 1 : i32
    %select_n3A_1718 = arith.select %eq3A_1716, %jit3A_1717, %jit3A_1715 : i32
    %rem3A = vector.broadcast %select_n3A_1718 : i32 to vector<32x128xi32>
    %rem3A_1719 = arith.remsi %convert_element_type3A_1714, %rem3A : vector<32x128xi32>
    %ne3A = arith.constant 0 : i32
    %ne3A_1720 = vector.broadcast %ne3A : i32 to vector<32x128xi32>
    %ne3A_1721 = arith.cmpi ne, %rem3A_1719, %ne3A_1720 : vector<32x128xi32>
    %lt3A_1722 = arith.constant 0 : i32
    %lt3A_1723 = vector.broadcast %lt3A_1722 : i32 to vector<32x128xi32>
    %lt3A_1724 = arith.cmpi slt, %rem3A_1719, %lt3A_1723 : vector<32x128xi32>
    %lt3A_1725 = arith.constant 0 : i32
    %lt3A_1726 = arith.cmpi slt, %select_n3A_1718, %lt3A_1725 : i32
    %ne3A_1727 = vector.broadcast %lt3A_1726 : i1 to vector<32x128xi1>
    %ne3A_1728 = vector.broadcast %ne3A_1727 : vector<32x128xi1> to vector<32x128xi1>
    %ne3A_1729 = arith.xori %lt3A_1724, %ne3A_1728 : vector<32x128xi1>
    %and3A = arith.andi %ne3A_1729, %ne3A_1721 : vector<32x128xi1>
    %add3A_1730 = vector.broadcast %select_n3A_1718 : i32 to vector<32x128xi32>
    %add3A_1731 = arith.addi %rem3A_1719, %add3A_1730 : vector<32x128xi32>
    %select_n3A_1732 = arith.select %and3A, %add3A_1731, %rem3A_1719 : vector<32x128xi1>, vector<32x128xi32>
    %iota3A = tpu.iota {dimensions = array<i32: 0>} : vector<32x128xi32>
    %jit3A_1733 = arith.constant 8 : i32
    %eq3A_1734 = arith.constant 0 : i32
    %eq3A_1735 = arith.cmpi eq, %jit3A_1733, %eq3A_1734 : i32
    %jit3A_1736 = arith.constant 1 : i32
    %select_n3A_1737 = arith.select %eq3A_1735, %jit3A_1736, %jit3A_1733 : i32
    %rem3A_1738 = vector.broadcast %select_n3A_1737 : i32 to vector<32x128xi32>
    %rem3A_1739 = arith.remsi %iota3A, %rem3A_1738 : vector<32x128xi32>
    %ne3A_1740 = arith.constant 0 : i32
    %ne3A_1741 = vector.broadcast %ne3A_1740 : i32 to vector<32x128xi32>
    %ne3A_1742 = arith.cmpi ne, %rem3A_1739, %ne3A_1741 : vector<32x128xi32>
    %lt3A_1743 = arith.constant 0 : i32
    %lt3A_1744 = vector.broadcast %lt3A_1743 : i32 to vector<32x128xi32>
    %lt3A_1745 = arith.cmpi slt, %rem3A_1739, %lt3A_1744 : vector<32x128xi32>
    %lt3A_1746 = arith.constant 0 : i32
    %lt3A_1747 = arith.cmpi slt, %select_n3A_1737, %lt3A_1746 : i32
    %ne3A_1748 = vector.broadcast %lt3A_1747 : i1 to vector<32x128xi1>
    %ne3A_1749 = vector.broadcast %ne3A_1748 : vector<32x128xi1> to vector<32x128xi1>
    %ne3A_1750 = arith.xori %lt3A_1745, %ne3A_1749 : vector<32x128xi1>
    %and3A_1751 = arith.andi %ne3A_1750, %ne3A_1742 : vector<32x128xi1>
    %add3A_1752 = vector.broadcast %select_n3A_1737 : i32 to vector<32x128xi32>
    %add3A_1753 = arith.addi %rem3A_1739, %add3A_1752 : vector<32x128xi32>
    %select_n3A_1754 = arith.select %and3A_1751, %add3A_1753, %rem3A_1739 : vector<32x128xi1>, vector<32x128xi32>
    %mul3A_1755 = arith.constant 16 : i32
    %mul3A_1756 = vector.broadcast %mul3A_1755 : i32 to vector<32x128xi32>
    %mul3A_1757 = arith.muli %select_n3A_1754, %mul3A_1756 : vector<32x128xi32>
    %add3A_1758 = arith.addi %select_n3A_1732, %mul3A_1757 : vector<32x128xi32>
    %swap3A = arith.constant 0 : index
    %swap3A_1759 = arith.constant 0 : index
    %swap3A_1760 = vector.load %arg1[%swap3A, %swap3A_1759] : memref<32x128xi32, #tpu.memory_space<vmem>>, vector<32x128xi32>
    tpu.vector_store %arg1[%swap3A, %swap3A_1759], %add3A_1758 {strides = array<i32>} : memref<32x128xi32, #tpu.memory_space<vmem>>, vector<32x128xi32>,
    return
  }
}

</mosaic_0001>

<sc_bundles>
// kernel: sc_table_gather.3.cloned.1.call-start
scs
__scs_entry_jumppad:
0x0: {  	(pc) =	sbr.rel $0x88, $3  }
0x1: {  	(tag) =	ssettag $0x0;
	lr =	simm.s32 $0x1  }
0x2: {  	[smem:$0x3F9F] =	sst lr;
	_ =	strace $0xD0000000  }
0x3: {  	_ = 	snop  }
0x4: {  	_ = 	snop  }
0x5: {  	_ = 	snop  }
0x6: {  	_ = 	snop  }
0x7: {  	_ = 	snop  }
__scs_overlays_trampoline_lowered:
0x8: {  	[smem:$0x3FAE] =	sst s0  }
0x9: {  	[smem:$0x3FAF] =	sst s1  }
0xa: {  	[smem:$0x3FB0] =	sst s2  }
0xb: {  	[smem:$0x3FB1] =	sst s3  }
0xc: {  	[smem:$0x3FB2] =	sst s4  }
0xd: {  	[smem:$0x3FB3] =	sst s5  }
0xe: {  	[smem:$0x3FB4] =	sst s6  }
0xf: {  	[smem:$0x3FB5] =	sst s7  }
0x10: {  	[smem:$0x3FB6] =	sst s8  }
0x11: {  	[smem:$0x3FB7] =	sst s9;
	s0 =	simm.s32 @!p0 $0x0  }
0x12: {  	s1 =	sld [smem:$0x3F9D];
	s0 =	simm.s32 @p0 $0x1  }
0x13: {  	[smem:$0x3FB8] =	sst s0;
	s0 =	simm.s32 @!p1 $0x0  }
0x14: {  	s2 =	sld [smem:$0x3F9C];
	s0 =	simm.s32 @p1 $0x1  }
0x15: {  	[smem:$0x3FB9] =	sst s0;
	s0 =	simm.s32 @!p2 $0x0  }
0x16: {  	s3 =	sld [smem:$0x3FDB];
	s0 =	simm.s32 @p2 $0x1  }
0x17: {  	s4 =	simm.s32 $0x1BF5;
	[smem:$0x3FBB] =	sst s0  }
0x18: {  	s0 =	sld [smem:$0x3F9E];
	_ =	swait.ge [sflag:s4], $0x0  }
0x19: {  	s7 =	sld [smem:$0x3F9F]  }
0x1a: {  	s8 =	sadd.s32 $0xFFFFE003, lr  }
0x1b: {  	s9 =	sadd.s32 $0xFFFFFEF7, lr;
	s5 =	simm.s32 $0xFFFFFFFF;
	p2 =	slt.u32 s8, $0xFFFFF086  }
0x1c: {  	p1 =	slt.u32 s9, $0xF7A;
	s5 =	simm.s32 @!p2 $0x0  }
0x1d: {  	s5 =	simm.s32 @p1 $0x1;
	p0 =	seq.s32 s7, s2  }
0x1e: {  	s7 =	smul.u32 @!p0 $0xF7A, s2;
	p2 =	seq.s32 @!p0 s5, $0x0  }
0x1f: {  	s9 =	smul.u32 $0xF7A, s1;
	s8 =	simm.s32 @!p0 $0x1BF5;
	p2 =	por !p2, p0  }
0x20: {  	[sflag:s8] =	ssyncset.s32 @!p0 $0xFFFFF086;
	s6 =	sadd.s32 @!p0 s3, s7;
	s7 =	simm.s32 @!p0 $0x108  }
0x21: {  	s3 =	sadd.s32 s3, s9;
	s6 =	sadd.s32 @!p0 $0x88, s6;
	s7 =	simm.s32 @p2 $0x1082  }
0x22: {  	[simem:s7], [sflag:s8] =	dma.local @!p0 [hbm:s6], $0xF7A  }
0x23: {  	s9 =	sor.u32 $0xD0000000, s2;
	s6 =	simm.s32 $0x108;
	_ =	swait.ge @!p0 [sflag:s8], $0x0  }
0x24: {  	s3 =	sadd.s32 $0x88, s3;
	s6 =	simm.s32 @!p1 $0x1082;
	[sflag:s4] =	ssyncset.s32 $0xFFFFF086  }
0x25: {  	[simem:s6], [sflag:s4] =	dma.local [hbm:s3], $0xF7A  }
0x26: {  	[smem:$0x3F9F] =	sst s1;
	(tag) =	ssettag s2;
	_ =	strace s9  }
0x27: {  	s1 =	sld [smem:$0x3FAF]  }
0x28: {  	s2 =	sld [smem:$0x3FB0]  }
0x29: {  	s4 =	sld [smem:$0x3FB2]  }
0x2a: {  	p0 =	seq.s32 s5, $0x0;
	s5 =	sld [smem:$0x3FB3]  }
0x2b: {  	s6 =	sld [smem:$0x3FB4]  }
0x2c: {  	s7 =	sld [smem:$0x3FB5]  }
0x2d: {  	s3 =	simm.s32 $0x108;
	s8 =	sld [smem:$0x3FB6]  }
0x2e: {  	s3 =	simm.s32 @!p0 $0x1082;
	s9 =	sld [smem:$0x3FB7]  }
0x2f: {  	lr =	sadd.s32 s0, s3;
	s0 =	sld [smem:$0x3FAE]  }
0x30: {  	s3 =	sld [smem:$0x3FB1]  }
0x31: {  	[smem:$0x3FBA] =	sst s10  }
0x32: {  	s10 =	sld [smem:$0x3FB8];
	_ =	sdelay $0x3  }
0x33: {  	p0 =	seq.s32 s10, $0x1;
	s10 =	sld [smem:$0x3FBA];
	_ =	sdelay $0x3  }
0x34: {  	[smem:$0x3FBA] =	sst s10  }
0x35: {  	s10 =	sld [smem:$0x3FB9];
	_ =	sdelay $0x3  }
0x36: {  	p1 =	seq.s32 s10, $0x1;
	s10 =	sld [smem:$0x3FBA];
	_ =	sdelay $0x3  }
0x37: {  	[smem:$0x3FBA] =	sst s10  }
0x38: {  	s10 =	sld [smem:$0x3FBB]  }
0x39: {  	_ = 	snop;
	(pc) =	sbr.ind lr, $3  }
0x3a: {  	_ = 	snop  }
0x3b: {  	_ = 	snop  }
0x3c: {  	p2 =	seq.s32 s10, $0x1;
	s10 =	sld [smem:$0x3FBA]  }
0x3d: {  	_ =	shalt  }
0x3e: {  	_ =	shalt  }
0x3f: {  	_ =	shalt  }
0x40: {  	_ =	shalt  }
0x41: {  	_ =	shalt  }
0x42: {  	_ =	shalt  }
0x43: {  	_ =	shalt  }
0x44: {  	_ =	shalt  }
0x45: {  	_ =	shalt  }
0x46: {  	_ =	shalt  }
0x47: {  	_ =	shalt  }
0x48: {  	_ =	shalt  }
0x49: {  	_ =	shalt  }
0x4a: {  	_ =	shalt  }
0x4b: {  	_ =	shalt  }
0x4c: {  	_ =	shalt  }
0x4d: {  	_ =	shalt  }
0x4e: {  	_ =	shalt  }
0x4f: {  	_ =	shalt  }
0x50: {  	_ =	shalt  }
0x51: {  	_ =	shalt  }
0x52: {  	_ =	shalt  }
0x53: {  	_ =	shalt  }
0x54: {  	_ =	shalt  }
0x55: {  	_ =	shalt  }
0x56: {  	_ =	shalt  }
0x57: {  	_ =	shalt  }
0x58: {  	_ =	shalt  }
0x59: {  	_ =	shalt  }
0x5a: {  	_ =	shalt  }
0x5b: {  	_ =	shalt  }
0x5c: {  	_ =	shalt  }
0x5d: {  	_ =	shalt  }
0x5e: {  	_ =	shalt  }
0x5f: {  	_ =	shalt  }
0x60: {  	_ =	shalt  }
0x61: {  	_ =	shalt  }
0x62: {  	_ =	shalt  }
0x63: {  	_ =	shalt  }
0x64: {  	_ =	shalt  }
0x65: {  	_ =	shalt  }
0x66: {  	_ =	shalt  }
0x67: {  	_ =	shalt  }
0x68: {  	_ =	shalt  }
0x69: {  	_ =	shalt  }
0x6a: {  	_ =	shalt  }
0x6b: {  	_ =	shalt  }
0x6c: {  	_ =	shalt  }
0x6d: {  	_ =	shalt  }
0x6e: {  	_ =	shalt  }
0x6f: {  	_ =	shalt  }
0x70: {  	_ =	shalt  }
0x71: {  	_ =	shalt  }
0x72: {  	_ =	shalt  }
0x73: {  	_ =	shalt  }
0x74: {  	_ =	shalt  }
0x75: {  	_ =	shalt  }
0x76: {  	_ =	shalt  }
0x77: {  	_ =	shalt  }
0x78: {  	_ =	shalt  }
0x79: {  	_ =	shalt  }
0x7a: {  	_ =	shalt  }
0x7b: {  	_ =	shalt  }
0x7c: {  	_ =	shalt  }
0x7d: {  	_ =	shalt  }
0x7e: {  	_ =	shalt  }
0x7f: {  	_ =	shalt  }
0x80: {  	_ =	shalt  }
0x81: {  	_ =	shalt  }
0x82: {  	_ =	shalt  }
0x83: {  	_ =	shalt  }
0x84: {  	_ =	shalt  }
0x85: {  	_ =	shalt  }
0x86: {  	_ =	shalt  }
0x87: {  	_ =	shalt  }
.Lfunc_end0:
.L_simem_size_0:
called_computation.1_lowered:
.L_overlay_start_0:
0x88: {  	s2 =	sld [smem:$0x3FD9]  }
0x89: {  	s3 =	sld [smem:$0x3FFE];
	_ =	sdelay $0x1  }
0x8a: {  	s1 =	srdreg.scid  }
0x8b: {  	s0 =	sand.u32 $0x1, s1  }
0x8c: {  	s17 =	sshll.u32 s0, $0xA;
	s2 =	sadd.s32 s3, s2  }
0x8d: {  	s2 =	sadd.s32 s2, s17  }
0x8e: {  	[smem:$0x3FC6] =	sst s2  }
0x8f: {  	_ = 	snop  }
0x90: {  	s2 =	sld [smem:$0x3FD0];
	(tm) =	ssettm $0x1  }
0x91: {  	s18 =	sld [smem:$0x3FFB];
	_ =	sdelay $0x3  }
0x92: {  	_ =	strace s18  }
0x93: {  	s3 =	sld [smem:$0x3FFC];
	_ =	sdelay $0x3  }
0x94: {  	_ =	strace s3  }
0x95: {  	s3 =	sld [smem:$0x3FFD];
	_ =	sdelay $0x3  }
0x96: {  	_ =	strace s3  }
0x97: {  	_ =	strace $0x8FFFFFFF  }
0x98: {  	s19 =	sld [smem:$0x3FDB];
	_ =	sdelay $0x1  }
0x99: {  	s4 =	simm.s32 $_scs_section_size  }
0x9a: {  	s5 =	simm.s32 $_size__tile_overlayer_lowered;
	s6 =	simm.s32 $_tile_overlayer_lowered  }
0x9b: {  	s22 =	simm.s32 $0x1BFF;
	s21 =	sshll.u32 s6, $0x1;
	s3 =	sadd.s32 s4, s19  }
0x9c: {  	s7 =	simm.s32 $0x0;
	s20 =	sshll.u32 s5, $0x1;
	s5 =	sadd.s32 s21, s3  }
0x9d: {  	[timem:s7], [sflag:s22] =	dma.local [hbm:s5], s20  }
0x9e: {  	_ =	swait.ge [sflag:s22], s20  }
0x9f: {  	s4 =	ssub.s32 $0x0, s20;
	[sflag:s22] =	ssyncset.done $0x0  }
0xa0: {  	[sflag:s22] =	ssyncadd.s32 s4;
	_ =	sdelay $0x1  }
0xa1: {  	s23 =	simm.s32 $0x1B8B  }
0xa2: {  	_ =	swait.ge [sflag:s23], $0x1  }
0xa3: {  	[sflag:s23] =	ssyncset.done $0x0  }
0xa4: {  	s25 =	simm.s32 $0x1B8E;
	s24 =	sld [smem:$0x3FFE];
	[sflag:s23] =	ssyncadd.s32 $0xFFFFFFFF  }
0xa5: {  	s26 =	simm.s32 $execute0_lowered;
	[smem:$0x3FD2] =	sst s25  }
0xa6: {  	s5 =	sshll.u32 s26, $0x1;
	_ =	strace $0x80000046;
	[dreg:$0x1] =	wrdreg $0xFFFFFFFF  }
0xa7: {  	s28 =	simm.s32 $_size_execute0_lowered;
	s3 =	sadd.s32 s3, s5;
	[dreg:$0x0] =	wrdreg $0x0  }
0xa8: {  	s5 =	sshll.u32 s28, $0x1;
	[dreg:$0x2] =	wrdreg s3  }
0xa9: {  	[dreg:$0x3] =	wrdreg s5  }
0xaa: {  	[dreg:$0x4] =	wrdreg $0xC0  }
0xab: {  	_ =	task [dreg:s7], $0x5FFFF  }
0xac: {  	[dreg:$0x1] =	wrdreg $0xFFFFFFFF  }
0xad: {  	[dreg:$0x0] =	wrdreg $0x60  }
0xae: {  	[dreg:$0x2] =	wrdreg s2  }
0xaf: {  	[dreg:$0x3] =	wrdreg s24  }
0xb0: {  	[dreg:$0x4] =	wrdreg $0x9  }
0xb1: {  	_ =	task.clear_ibuf [dreg:s7], $0x5FFFF;
	_ =	strace $0x90000046  }
0xb2: {  	s29 =	simm.s32 $0x9;
	_ =	strace $0x80000048  }
0xb3: {  	_ =	swait.ge [sflag:s29], $0x1  }
0xb4: {  	[sflag:s29] =	ssyncadd.s32 $0xFFFFFFFF  }
0xb5: {  	_ =	strace $0x90000048  }
0xb6: {  	_ =	sfence  }
0xb7: {  	s30 =	sld [smem:$0x0];
	_ =	sdelay $0x2  }
0xb8: {  	s31 =	sshll.u32 s1, $0xD;
	s1 =	sshrl.u32 s1, $0x2  }
0xb9: {  	s3 =	sand.u32 $0x4000, s31;
	s1 =	sadd.s32 s1, s30  }
0xba: {  	s0 =	sor.u32 s3, s0;
	s1 =	sshll.u32 s1, $0x11  }
0xbb: {  	s0 =	sor.u32 s1, s0  }
0xbc: {  	s0 =	sadd.s32 $0x8F2B, s0  }
0xbd: {  	[sflag:s0] =	ssyncadd.remote.s32 $0x1  }
0xbe: {  	_ =	sfence.sel $0xFFFF  }
0xbf: {  	[dreg:$0x0] =	wrdreg $0xFFFFFFFF;
	(pc) =	sbr.abs _section_cstart, $3  }
0xc0: {  	[dreg:$0x1] =	wrdreg $0xFFFFFFFF  }
0xc1: {  	_ =	task.clear_ibuf [dreg:s7], $0x2FFFF;
	_ =	strace $0x9FFFFFFF  }
0xc2: {  	(tm) =	ssettm $0x7FFFFFFF  }
0xc3: {  	_ =	shalt  }
tec
execute0_lowered:
.L_overlay_start_1:
0x0: {  	(tag) =	ssettag $0x1  }
0x1: {  	s2 =	rddreg [dreg:$0x0];
	s1 =	srdreg.scid  }
0x2: {  	s0 =	stileid.u32;
	s4 =	rddreg [dreg:$0x1];
	s3 =	simm.s32 $0x0  }
0x3: {  	s12 =	simm.s32 $0x1;
	s13 =	simm.s32 $0x2;
	s14 =	simm.s32 $0x0  }
0x4: {  	s5 =	sand.u32 $0x1, s1;
	s6 =	sshll.u32 s0, $0x1;
	s1 =	rddreg [dreg:$0x2]  }
0x5: {  	[smem:$0x7FF] =	sst s3;
	s9 =	smul.u32 $0x60000, s0;
	s6 =	sor.u32 s5, s6  }
0x6: {  	_ =	strace $0x80000047;
	s8 =	ssub.s32 $0x2, s5;
	s11 =	smul.u32 $0x30000, s5  }
0x7: {  	s7 =	sshll.u32 s6, $0x9;
	s6 =	smul.u32 $0x180000, s6;
	s10 =	sshrl.u32 s8, $0x1  }
0x8: {  	s7 =	sadd.s32 s7, s4;
	s4 =	sadd.s32 $0x4A00, s4;
	s8 =	ssub.s32 s8, s10  }
0x9: {  	s10 =	simm.s32 $0x1000;
	s6 =	sshrl.u32 s6, $0x3;
	s9 =	sadd.s32 s9, s4  }
0xa: {  	s6 =	sadd.s32 s4, s6;
	s4 =	sadd.s32 $0xA00, s7;
	s9 =	sadd.s32 s11, s9  }
0xb: {  	s7 =	smax.u32 s8, $0x1;
	s11 =	simm.s32 $0xD000;
	s5 =	sadd.s32 $0x2D000, s6  }
0xc: {  	vm0 =	vmmov $0xf;
	v0 =	vlaneseq.u32;
	s6 =	sadd.s32 $0x2E800, s6;
	s8 =	sadd.s32 $0x1800, s9;
	s9 =	simm.s32 $0x3  }
.LBB2_1:
0xd: {  	[tilespmem:s3], [sflag:$0x3] =	stream.linear.gather [hbm4b:s4+s3], $0x1000, $0x38;
	[tilespmem:$0x19000] =	vst v63  }
0xe: {  	_ =	swait.ge [sflag:s9], $0x1000  }
0xf: {  	[sflag:s9] =	ssyncset.done $0x0  }
0x10: {  	[sflag:s9] =	ssyncadd.s32 $0xFFFFF000  }
0x11: {  	v1 =	vld.msk [tilespmem:$0x0], $0xf;
	_ =	sdelay $0x4  }
0x12: {  	v1 =	vmul.u32 $0x3000, v1;
	_ =	sdelay $0x1  }
0x13: {  	v1 =	vperm.xlane v1, v0;
	_ =	sdelay $0x5  }
0x14: {  	[tilespmem:s10], [sflag:$0x1] =	stream.indirect_vreg.gather [hbm4b:s2+s3], $0x3000, v1, vm0, $0x38;
	[tilespmem:$0x19000] =	vst v63  }
0x15: {  	v1 =	vld.msk [tilespmem:$0x80], $0xf;
	_ =	sdelay $0x4  }
0x16: {  	v1 =	vmul.u32 $0x3000, v1;
	_ =	sdelay $0x1  }
0x17: {  	v1 =	vperm.xlane v1, v0;
	_ =	sdelay $0x4  }
0x18: {  	s15 =	smov.u32 s8;
	s16 =	simm.s32 $0x0  }
0x19: {  	[tilespmem:s11], [sflag:$0x2] =	stream.indirect_vreg.gather [hbm4b:s2+s3], $0x3000, v1, vm0, $0x38;
	[tilespmem:$0x19000] =	vst v63  }
.LBB2_2:
0x1a: {  	_ =	swait.ge [sflag:s12], $0xC000  }
0x1b: {  	[sflag:s12] =	ssyncset.done $0x0  }
0x1c: {  	s17 =	sadd.s32 $0xFFFFE800, s15;
	[sflag:s12] =	ssyncadd.s32 $0xFFFF4000  }
0x1d: {  	[hbm4b:s17+s3] =	stream.linear.scatter [tilespmem:s10], [sflag:$0x3], $0xC000, $0x38;
	[tilespmem:$0x19000] =	vst v63  }
0x1e: {  	_ =	swait.ge [sflag:s9], $0xC000  }
0x1f: {  	[sflag:s9] =	ssyncset.done $0x0  }
0x20: {  	s31 =	sshra.s32 s16, $0x2;
	[sflag:s9] =	ssyncadd.s32 $0xFFFF4000  }
0x21: {  	v1 =	vld.msk [tilespmem:s31+$0x100], $0xf;
	_ =	sdelay $0x4  }
0x22: {  	v1 =	vmul.u32 $0x3000, v1;
	_ =	sdelay $0x1  }
0x23: {  	v1 =	vperm.xlane v1, v0;
	_ =	sdelay $0x5  }
0x24: {  	[tilespmem:s10], [sflag:$0x1] =	stream.indirect_vreg.gather [hbm4b:s2+s3], $0x3000, v1, vm0, $0x38;
	[tilespmem:$0x19000] =	vst v63  }
0x25: {  	_ =	swait.ge [sflag:s13], $0xC000  }
0x26: {  	[sflag:s13] =	ssyncset.done $0x0  }
0x27: {  	[sflag:s13] =	ssyncadd.s32 $0xFFFF4000  }
0x28: {  	[hbm4b:s15+s3] =	stream.linear.scatter [tilespmem:s11], [sflag:$0x3], $0xC000, $0x38;
	[tilespmem:$0x19000] =	vst v63  }
0x29: {  	_ =	swait.ge [sflag:s9], $0xC000  }
0x2a: {  	[sflag:s9] =	ssyncset.done $0x0  }
0x2b: {  	[sflag:s9] =	ssyncadd.s32 $0xFFFF4000  }
0x2c: {  	v1 =	vld.msk [tilespmem:s31+$0x180], $0xf;
	_ =	sdelay $0x4  }
0x2d: {  	v1 =	vmul.u32 $0x3000, v1;
	_ =	sdelay $0x1  }
0x2e: {  	v1 =	vperm.xlane v1, v0  }
0x2f: {  	p0 =	sne.s32 s16, $0x3800  }
.Ltmp0:
0x30: {  	_ = 	snop;
	(pc) =	sbr.rel @p0 .LBB2_2-.Ltmp0, $3  }
0x31: {  	_ =	sdelay $0x1  }
0x32: {  	s16 =	sadd.s32 $0x400, s16;
	s15 =	sadd.s32 $0x3000, s15  }
0x33: {  	[tilespmem:s11], [sflag:$0x2] =	stream.indirect_vreg.gather [hbm4b:s2+s3], $0x3000, v1, vm0, $0x38;
	[tilespmem:$0x19000] =	vst v63  }
0x34: {  	_ =	swait.ge [sflag:s12], $0xC000  }
0x35: {  	[sflag:s12] =	ssyncset.done $0x0  }
0x36: {  	[sflag:s12] =	ssyncadd.s32 $0xFFFF4000  }
0x37: {  	[hbm4b:s5+s3] =	stream.linear.scatter [tilespmem:s10], [sflag:$0x3], $0xC000, $0x38;
	[tilespmem:$0x19000] =	vst v63  }
0x38: {  	_ =	swait.ge [sflag:s9], $0xC000  }
0x39: {  	[sflag:s9] =	ssyncset.done $0x0  }
0x3a: {  	[sflag:s9] =	ssyncadd.s32 $0xFFFF4000  }
0x3b: {  	s14 =	sadd.s32 $0x1, s14;
	_ =	swait.ge [sflag:s13], $0xC000  }
0x3c: {  	p0 =	sne.s32 s14, s7;
	[sflag:s13] =	ssyncset.done $0x0  }
.Ltmp1:
0x3d: {  	[sflag:s13] =	ssyncadd.s32 $0xFFFF4000;
	(pc) =	sbr.rel @p0 .LBB2_1-.Ltmp1, $4  }
0x3e: {  	[hbm4b:s6+s3] =	stream.linear.scatter [tilespmem:s11], [sflag:$0x3], $0xC000, $0x38;
	[tilespmem:$0x19000] =	vst v63  }
0x3f: {  	_ =	swait.ge [sflag:s9], $0xC000  }
0x40: {  	[sflag:s9] =	ssyncset.done $0x0  }
0x41: {  	[sflag:s9] =	ssyncadd.s32 $0xFFFF4000  }
0x42: {  	_ =	sfence.sel $0x180000  }
0x43: {  	[bflag:$0x0] =	sbarrier.arrive $0xFFFF  }
0x44: {  	p0 =	sne.s32 s0, $0x0;
	_ =	strace $0x90000047  }
0x45: {  	s0 =	sadd.s32 @!p0 $0x100000, s1;
	[bflag:$0x2] =	sbarrier.arrive $0xFFFF  }
0x46: {  	[sflag:s0] =	ssyncadd.tile.s32 @!p0 $0x1;
	_ =	shalt  }
.Lfunc_end2:
_tile_overlayer_lowered:
.L_overlay_start_2:
0x47: {  	(tag) =	ssettag $0x2  }
0x48: {  	s0 =	rddreg [dreg:$0x0];
	s2 =	stileid.u32  }
0x49: {  	s1 =	rddreg [dreg:$0x1];
	p0 =	sne.s32 s2, $0x0  }
0x4a: {  	s3 =	rddreg [dreg:$0x2];
	[bflag:$0x3] =	sbarrier.arrive $0xFFFF;
	s2 =	simm.s32 @!p0 $0x1C03  }
0x4b: {  	[timem:s3], [sflag:s2] =	dma.local @!p0 [hbm:s0], s1  }
0x4c: {  	s0 =	simm.s32 @!p0 $0x3  }
0x4d: {  	_ =	swait.ge @!p0 [sflag:s0], s1  }
0x4e: {  	s1 =	ssub.s32 @!p0 $0x0, s1;
	[sflag:s0] =	ssyncset.done @!p0 $0x0  }
0x4f: {  	[sflag:s0] =	ssyncadd.s32 @!p0 s1  }
0x50: {  	[bflag:$0x3] =	sbarrier.arrive $0xFFFF  }
0x51: {  	_ =	shalt  }

// kernel: sparse-core-data-format-call.cloned.1.call-start
scs
called_computation_lowered:
.L_overlay_start_0:
0x0: {  	s2 =	sld [smem:$0x3FD9]  }
0x1: {  	s3 =	sld [smem:$0x3FFE];
	_ =	sdelay $0x1  }
0x2: {  	s1 =	srdreg.scid  }
0x3: {  	s0 =	sand.u32 $0x1, s1  }
0x4: {  	s18 =	sshll.u32 s0, $0xA;
	s2 =	sadd.s32 s3, s2  }
0x5: {  	s2 =	sadd.s32 s2, s18  }
0x6: {  	[smem:$0x3FC6] =	sst s2  }
0x7: {  	_ = 	snop  }
0x8: {  	s2 =	sld [smem:$0x3FD0];
	(tm) =	ssettm $0x1  }
0x9: {  	s19 =	sld [smem:$0x3FFB];
	_ =	sdelay $0x3  }
0xa: {  	_ =	strace s19  }
0xb: {  	s3 =	sld [smem:$0x3FFC];
	_ =	sdelay $0x3  }
0xc: {  	_ =	strace s3  }
0xd: {  	s3 =	sld [smem:$0x3FFD];
	_ =	sdelay $0x3  }
0xe: {  	_ =	strace s3  }
0xf: {  	_ =	strace $0x8FFFFFFF  }
0x10: {  	s20 =	sld [smem:$0x3FDB];
	_ =	sdelay $0x1  }
0x11: {  	s4 =	simm.s32 $_scs_section_size  }
0x12: {  	s5 =	simm.s32 $_size__tile_overlayer_lowered;
	s6 =	simm.s32 $_tile_overlayer_lowered  }
0x13: {  	s23 =	simm.s32 $0x1BFF;
	s22 =	sshll.u32 s6, $0x1;
	s3 =	sadd.s32 s4, s20  }
0x14: {  	s7 =	simm.s32 $0x0;
	s21 =	sshll.u32 s5, $0x1;
	s5 =	sadd.s32 s22, s3  }
0x15: {  	[timem:s7], [sflag:s23] =	dma.local [hbm:s5], s21  }
0x16: {  	_ =	swait.ge [sflag:s23], s21  }
0x17: {  	s4 =	ssub.s32 $0x0, s21;
	[sflag:s23] =	ssyncset.done $0x0  }
0x18: {  	[sflag:s23] =	ssyncadd.s32 s4;
	_ =	sdelay $0x1  }
0x19: {  	s24 =	simm.s32 $0x1B8B  }
0x1a: {  	_ =	swait.ge [sflag:s24], $0x1  }
0x1b: {  	[sflag:s24] =	ssyncset.done $0x0  }
0x1c: {  	s26 =	simm.s32 $0x1B8E;
	s25 =	sld [smem:$0x3FFE];
	[sflag:s24] =	ssyncadd.s32 $0xFFFFFFFF  }
0x1d: {  	s27 =	simm.s32 $execute0_lowered;
	[smem:$0x3FD2] =	sst s26  }
0x1e: {  	s5 =	sshll.u32 s27, $0x1;
	_ =	strace $0x80000049;
	[dreg:$0x1] =	wrdreg $0xFFFFFFFF  }
0x1f: {  	s28 =	simm.s32 $_size_execute0_lowered;
	s3 =	sadd.s32 s3, s5;
	[dreg:$0x0] =	wrdreg $0x0  }
0x20: {  	s5 =	sshll.u32 s28, $0x1;
	[dreg:$0x2] =	wrdreg s3  }
0x21: {  	[dreg:$0x3] =	wrdreg s5  }
0x22: {  	[dreg:$0x4] =	wrdreg $0xC0  }
0x23: {  	_ =	task [dreg:s7], $0x5FFFF  }
0x24: {  	[dreg:$0x1] =	wrdreg $0xFFFFFFFF  }
0x25: {  	[dreg:$0x0] =	wrdreg $0x60  }
0x26: {  	[dreg:$0x2] =	wrdreg s25  }
0x27: {  	[dreg:$0x3] =	wrdreg s2  }
0x28: {  	[dreg:$0x4] =	wrdreg $0x9  }
0x29: {  	_ =	task.clear_ibuf [dreg:s7], $0x5FFFF;
	_ =	strace $0x90000049  }
0x2a: {  	s29 =	simm.s32 $0x9;
	_ =	strace $0x8000004B  }
0x2b: {  	_ =	swait.ge [sflag:s29], $0x1  }
0x2c: {  	[sflag:s29] =	ssyncadd.s32 $0xFFFFFFFF  }
0x2d: {  	_ =	strace $0x9000004B  }
0x2e: {  	_ =	sfence  }
0x2f: {  	s30 =	sld [smem:$0x0];
	_ =	sdelay $0x2  }
0x30: {  	s31 =	sshll.u32 s1, $0xD;
	s1 =	sshrl.u32 s1, $0x2  }
0x31: {  	s3 =	sand.u32 $0x4000, s31;
	s1 =	sadd.s32 s1, s30  }
0x32: {  	s0 =	sor.u32 s3, s0;
	s1 =	sshll.u32 s1, $0x11  }
0x33: {  	s0 =	sor.u32 s1, s0  }
0x34: {  	s0 =	sadd.s32 $0x8F2B, s0  }
0x35: {  	[sflag:s0] =	ssyncadd.remote.s32 $0x1  }
0x36: {  	_ =	sfence.sel $0xFFFF  }
0x37: {  	[dreg:$0x0] =	wrdreg $0xFFFFFFFF;
	(pc) =	sbr.abs _section_cstart, $3  }
0x38: {  	[dreg:$0x1] =	wrdreg $0xFFFFFFFF  }
0x39: {  	_ =	task.clear_ibuf [dreg:s7], $0x2FFFF;
	_ =	strace $0x9FFFFFFF  }
0x3a: {  	(tm) =	ssettm $0x7FFFFFFF  }
0x3b: {  	_ =	shalt  }
tec
execute0_lowered:
.L_overlay_start_1:
0x0: {  	(tag) =	ssettag $0x1  }
0x1: {  	s0 =	srdreg.scid  }
0x2: {  	s1 =	sshll.u32 s0, $0x4  }
0x3: {  	s6 =	rddreg [dreg:$0x0];
	s0 =	stileid.u32;
	s1 =	sand.u32 $0x10, s1  }
0x4: {  	s3 =	rddreg [dreg:$0x1];
	s1 =	sor.u32 s0, s1  }
0x5: {  	s5 =	simm.s32 $0x1;
	s31 =	simm.s32 $0x2;
	s2 =	sshll.u32 s1, $0x7  }
0x6: {  	s14 =	simm.s32 $0x0;
	s8 =	simm.s32 $0x1000;
	s4 =	ssub.s32 $0x1000, s2  }
0x7: {  	s9 =	simm.s32 $0x0;
	s15 =	simm.s32 $0x0;
	s30 =	sand.u32 $0xF80, s4  }
0x8: {  	s16 =	simm.s32 $0x0;
	s10 =	simm.s32 $0x0;
	p0 =	sne.s32 s30, $0x0  }
.Ltmp0:
0x9: {  	s7 =	sshrl.u32 s4, $0xC;
	s5 =	simm.s32 @!p0 $0x0;
	(pc) =	sbr.rel .LBB1_1-.Ltmp0, $4  }
0xa: {  	s11 =	simm.s32 $0x0;
	s1 =	rddreg [dreg:$0x2];
	s5 =	sadd.s32 s5, s7  }
0xb: {  	_ =	strace $0x8000004A;
	s4 =	simm.s32 $0x1;
	s5 =	smul.u32 $0x48, s5  }
0xc: {  	s13 =	simm.s32 $0x0;
	s6 =	sadd.s32 $0x4A00, s6;
	[sflag:s4] =	ssyncpa.u1 $0x0  }
0xd: {  	s12 =	smov.u32 s2;
	[sflag:s31] =	ssyncpa.u1 $0x0;
	s7 =	sor.u32 $0x1, s5  }
.LBB1_4:
0xe: {  	_ =	sdelay $0x3  }
0xf: {  	[tilespmem:v0+s19+$0xFFFFFFD0 ss:$0x1] =	vst.idx.msk $0xffff, v6  }
0x10: {  	v56 =	vld.idx.msk [tilespmem:v1+s18+$0x0 ss:$0x1], $0xffff;
	[tilespmem:v0+s19+$0xFFFFFFE0 ss:$0x1] =	vst.idx.msk $0xffff, v4  }
0x11: {  	v57 =	vld.idx.msk [tilespmem:v1+s18+$0xFFFFFF90 ss:$0x1], $0xffff;
	[tilespmem:v0+s19+$0xFFFFFFF0 ss:$0x1] =	vst.idx.msk $0xffff, v2  }
0x12: {  	v58 =	vld.idx.msk [tilespmem:v1+s18+$0xFFFFFFA0 ss:$0x1], $0xffff;
	[tilespmem:v0+s19+$0x0 ss:$0x1] =	vst.idx.msk $0xffff, v3  }
0x13: {  	v59 =	vld.idx.msk [tilespmem:v1+s18+$0xFFFFFFB0 ss:$0x1], $0xffff;
	[tilespmem:v0+s19+$0x10 ss:$0x1] =	vst.idx.msk $0xffff, v5  }
0x14: {  	v60 =	vld.idx.msk [tilespmem:v1+s18+$0xFFFFFFC0 ss:$0x1], $0xffff;
	[tilespmem:v0+s19+$0x20 ss:$0x1] =	vst.idx.msk $0xffff, v7  }
0x15: {  	v61 =	vld.idx.msk [tilespmem:v1+s18+$0xFFFFFFD0 ss:$0x1], $0xffff;
	s27 =	sshll.u32 s16, $0x9;
	[tilespmem:v0+s18+$0x30 ss:$0x1] =	vst.idx.msk $0xffff, v56  }
0x16: {  	s20 =	sshll.u32 s14, $0x3;
	v62 =	vld.idx.msk [tilespmem:v1+s18+$0xFFFFFFE0 ss:$0x1], $0xffff;
	s28 =	sshll.u32 s16, $0x7;
	s30 =	sand.u32 $0x78, s14;
	[tilespmem:v0+s18+$0xFFFFFFC0 ss:$0x1] =	vst.idx.msk $0xffff, v57  }
0x17: {  	v63 =	vld.idx.msk [tilespmem:v1+s18+$0xFFFFFFF0 ss:$0x1], $0xffff;
	s15 =	sshll.u32 s15, $0x12;
	s19 =	sand.u32 $0x1FF000, s27;
	s20 =	sand.u32 $0x1FFC00, s20;
	[tilespmem:v0+s18+$0xFFFFFFD0 ss:$0x1] =	vst.idx.msk $0xffff, v58  }
0x18: {  	s29 =	sand.u32 $0x200, s28;
	s16 =	sand.u32 $0x180, s28;
	s19 =	sadd.s32 s19, s20;
	[tilespmem:v0+s18+$0xFFFFFFE0 ss:$0x1] =	vst.idx.msk $0xffff, v59  }
0x19: {  	s31 =	sand.u32 $0x7, s14;
	s16 =	sor.u32 s16, s30;
	s19 =	sor.u32 s29, s19;
	[tilespmem:v0+s18+$0xFFFFFFF0 ss:$0x1] =	vst.idx.msk $0xffff, v60  }
0x1a: {  	s15 =	sadd.s32 s3, s15;
	s16 =	sshrl.u32 s16, $0x3;
	s19 =	sshrl.u32 s19, $0x3;
	[tilespmem:v0+s18+$0x0 ss:$0x1] =	vst.idx.msk $0xffff, v61  }
0x1b: {  	s14 =	sshll.u32 s31, $0x12;
	s15 =	sadd.s32 s16, s15;
	[tilespmem:v0+s18+$0x10 ss:$0x1] =	vst.idx.msk $0xffff, v62;
	s19 =	sand.u32 $0x3FFC0, s19  }
0x1c: {  	s14 =	sor.u32 $0x400, s14;
	[tilespmem:v0+s18+$0x20 ss:$0x1] =	vst.idx.msk $0xffff, v63;
	s15 =	sadd.s32 s19, s15  }
0x1d: {  	[hbm4b:s15+s14] =	stream.strided.scatter [tilespmem:s17], [sflag:$0x2], $0x4000, s8, s14, $0x38;
	[tilespmem:$0x10000] =	vst v63  }
.LBB1_5:
0x1e: {  	s17 =	sadd.s32 $0x80, s10  }
0x1f: {  	s14 =	simm.s32 $0x1;
	p1 =	sgt.s32 s17, $0x1FF  }
0x20: {  	s14 =	simm.s32 @!p1 $0x0  }
0x21: {  	s18 =	sadd.s32 s14, s11  }
0x22: {  	s20 =	smov.u32 s12;
	s14 =	sadd.s32 $0x1000, s12;
	p2 =	sgt.s32 s18, $0x11  }
0x23: {  	s20 =	smov.u32 @p2 s14  }
0x24: {  	p0 =	slt.u32 s13, $0x2;
	s17 =	simm.s32 @p1 $0x0;
	p1 =	sgt.s32 s20, $0xFFF  }
0x25: {  	s19 =	simm.s32 @!p0 $0x2;
	s20 =	smov.u32 @p1 s2;
	p1 =	sne.s32 s13, s7  }
.Ltmp1:
0x26: {  	_ =	swait.ge @!p0 [sflag:s19], $0x4000;
	(pc) =	sbr.rel @!p1 .LBB1_6-.Ltmp1, $4  }
0x27: {  	s15 =	smov.u32 s11;
	[sflag:s19] =	ssyncset.done @!p0 $0x0  }
0x28: {  	s16 =	smov.u32 s12;
	s9 =	sadd.s32 $0x4000, s9;
	[sflag:s19] =	ssyncadd.s32 @!p0 $0xFFFFC000  }
0x29: {  	s18 =	simm.s32 @p2 $0x0;
	s14 =	smov.u32 s10;
	s10 =	smov.u32 s17  }
0x2a: {  	s11 =	smov.u32 s18;
	s13 =	sadd.s32 $0x1, s13;
	s12 =	smov.u32 s20  }
.LBB1_1:
0x2b: {  	p0 =	sge.u32 s13, s5  }
0x2c: {  	s17 =	sshll.u32 @!p0 s11, $0x9;
	s18 =	sshll.u32 @!p0 s10, $0x3  }
0x2d: {  	s19 =	sshll.u32 @!p0 s11, $0x7;
	s17 =	sand.u32 @!p0 $0xFFFFF000, s17;
	s18 =	sand.u32 @!p0 $0xFFFFFC00, s18  }
0x2e: {  	s17 =	sadd.s32 @!p0 s17, s18;
	s18 =	sand.u32 @!p0 $0x200, s19  }
0x2f: {  	s17 =	sor.u32 @!p0 s18, s17  }
0x30: {  	s17 =	sshrl.u32 @!p0 s17, $0x9  }
0x31: {  	s31 =	sadd.s32 $0xFFFFFFFF, s13;
	s18 =	smulhi.u32 @!p0 $0xAAAAAAB, s17  }
0x32: {  	s20 =	sxor.u32 @!p0 $0xFFFFFFFF, s13;
	s21 =	sand.u32 @!p0 $0x78, s10;
	s22 =	smul.u32 @!p0 $0x600, s12  }
0x33: {  	s20 =	sshll.u32 @!p0 s20, $0xE;
	s19 =	sand.u32 @!p0 $0x180, s19;
	s18 =	smul.u32 @!p0 $0x18, s18  }
0x34: {  	s20 =	sand.u32 @!p0 $0x4000, s20;
	s19 =	sor.u32 @!p0 s21, s19;
	s21 =	sand.u32 @!p0 $0x7, s10  }
0x35: {  	s17 =	ssub.s32 @!p0 s17, s18;
	s18 =	sshrl.u32 @!p0 s19, $0x3;
	s19 =	sadd.s32 @!p0 s6, s22  }
0x36: {  	s17 =	sshll.u32 @!p0 s17, $0x6;
	s18 =	sadd.s32 @!p0 s18, s19;
	s19 =	sshll.u32 @!p0 s21, $0x12  }
0x37: {  	s17 =	sadd.s32 @!p0 s17, s18;
	s18 =	sor.u32 @!p0 $0x80, s19;
	s19 =	simm.s32 @!p0 $0x3000  }
0x38: {  	[tilespmem:s20], [sflag:$0x1] =	stream.strided.gather @!p0 [hbm4b:s17+s18], $0x4000, s19, s18, $0x38;
	[tilespmem:$0x10000] =	vst v63  }
0x39: {  	p0 =	sge.u32 s31, s5  }
.Ltmp2:
0x3a: {  	_ = 	snop;
	(pc) =	sbr.rel @p0 .LBB1_5-.Ltmp2, $1  }
0x3b: {  	_ =	sdelay $0x3  }
0x3c: {  	s17 =	sand.u32 $0x4000, s9  }
0x3d: {  	s18 =	sor.u32 $0x70, s17  }
0x3e: {  	v1 =	vmov s18;
	_ =	sdelay $0x1  }
0x3f: {  	_ =	swait.ge [sflag:s4], $0x4000  }
0x40: {  	[sflag:s4] =	ssyncset.done $0x0  }
0x41: {  	s19 =	simm.s32 $0x0;
	[sflag:s4] =	ssyncadd.s32 $0xFFFFC000  }
0x42: {  	s17 =	sor.u32 $0x8040, s17;
	v7 =	vld.idx.msk [tilespmem:v1+s19+$0x0 ss:$0x1], $0xffff  }
0x43: {  	v0 =	vmov s17;
	v8 =	vld.idx.msk [tilespmem:v1+s19+$0xFFFFFF90 ss:$0x1], $0xffff  }
0x44: {  	v6 =	vld.idx.msk [tilespmem:v1+s19+$0xFFFFFFA0 ss:$0x1], $0xffff  }
0x45: {  	v4 =	vld.idx.msk [tilespmem:v1+s19+$0xFFFFFFB0 ss:$0x1], $0xffff  }
0x46: {  	v2 =	vld.idx.msk [tilespmem:v1+s19+$0xFFFFFFC0 ss:$0x1], $0xffff  }
0x47: {  	s31 =	sshll.u32 s13, $0xE;
	v3 =	vld.idx.msk [tilespmem:v1+s19+$0xFFFFFFD0 ss:$0x1], $0xffff  }
0x48: {  	s17 =	sand.u32 $0x4000, s31;
	v5 =	vld.idx.msk [tilespmem:v1+s19+$0xFFFFFFE0 ss:$0x1], $0xffff;
	[tilespmem:v0+s19+$0x30 ss:$0x1] =	vst.idx.msk $0xffff, v7  }
0x49: {  	s20 =	simm.s32 $0x400;
	s18 =	simm.s32 $0x80;
	s17 =	sor.u32 $0x8000, s17;
	[tilespmem:v0+s19+$0xFFFFFFC0 ss:$0x1] =	vst.idx.msk $0xffff, v8;
	v7 =	vld.idx.msk [tilespmem:v1+s19+$0xFFFFFFF0 ss:$0x1], $0xffff  }
.LBB1_3:
0x4a: {  	p0 =	sne.s32 s20, $0xFE00;
	v8 =	vld.idx.msk [tilespmem:v1+s18+$0x0 ss:$0x1], $0xffff;
	[tilespmem:v0+s19+$0xFFFFFFD0 ss:$0x1] =	vst.idx.msk $0xffff, v6  }
0x4b: {  	v9 =	vld.idx.msk [tilespmem:v1+s18+$0xFFFFFF90 ss:$0x1], $0xffff;
	[tilespmem:v0+s19+$0xFFFFFFE0 ss:$0x1] =	vst.idx.msk $0xffff, v4  }
0x4c: {  	v6 =	vld.idx.msk [tilespmem:v1+s18+$0xFFFFFFA0 ss:$0x1], $0xffff;
	[tilespmem:v0+s19+$0xFFFFFFF0 ss:$0x1] =	vst.idx.msk $0xffff, v2  }
.Ltmp3:
0x4d: {  	v4 =	vld.idx.msk [tilespmem:v1+s18+$0xFFFFFFB0 ss:$0x1], $0xffff;
	[tilespmem:v0+s19+$0x0 ss:$0x1] =	vst.idx.msk $0xffff, v3;
	(pc) =	sbr.rel @p0 .LBB1_3-.Ltmp3, $4  }
0x4e: {  	v2 =	vld.idx.msk [tilespmem:v1+s18+$0xFFFFFFC0 ss:$0x1], $0xffff;
	[tilespmem:v0+s19+$0x10 ss:$0x1] =	vst.idx.msk $0xffff, v5  }
0x4f: {  	v3 =	vld.idx.msk [tilespmem:v1+s18+$0xFFFFFFD0 ss:$0x1], $0xffff;
	[tilespmem:v0+s19+$0x20 ss:$0x1] =	vst.idx.msk $0xffff, v7;
	s19 =	smov.u32 s18  }
0x50: {  	v5 =	vld.idx.msk [tilespmem:v1+s19+$0xFFFFFFE0 ss:$0x1], $0xffff;
	[tilespmem:v0+s19+$0x30 ss:$0x1] =	vst.idx.msk $0xffff, v8  }
0x51: {  	s18 =	sshra.s32 s20, $0x2;
	s20 =	sadd.s32 $0x200, s20;
	[tilespmem:v0+s19+$0xFFFFFFC0 ss:$0x1] =	vst.idx.msk $0xffff, v9;
	v7 =	vld.idx.msk [tilespmem:v1+s19+$0xFFFFFFF0 ss:$0x1], $0xffff  }
.Ltmp4:
0x52: {  	_ = 	snop;
	(pc) =	sbr.rel .LBB1_4-.Ltmp4, $1  }
0x53: {  	_ =	sdelay $0x3  }
.LBB1_6:
0x54: {  	_ =	sfence.sel $0x180000  }
0x55: {  	s2 =	simm.s32 $0x1;
	[bflag:$0x0] =	sbarrier.arrive $0xFFFF  }
0x56: {  	s31 =	simm.s32 $0x2;
	[sflag:s2] =	ssyncpa.u1 $0x1  }
0x57: {  	[sflag:s31] =	ssyncpa.u1 $0x1  }
0x58: {  	p0 =	sne.s32 s0, $0x0;
	_ =	strace $0x9000004A  }
0x59: {  	s0 =	sadd.s32 @!p0 $0x100000, s1;
	[bflag:$0x2] =	sbarrier.arrive $0xFFFF  }
0x5a: {  	[sflag:s0] =	ssyncadd.tile.s32 @!p0 $0x1;
	_ =	shalt  }
.Lfunc_end1:
_tile_overlayer_lowered:
.L_overlay_start_2:
0x5b: {  	(tag) =	ssettag $0x2  }
0x5c: {  	s0 =	rddreg [dreg:$0x0];
	s2 =	stileid.u32  }
0x5d: {  	s1 =	rddreg [dreg:$0x1];
	p0 =	sne.s32 s2, $0x0  }
0x5e: {  	s3 =	rddreg [dreg:$0x2];
	[bflag:$0x3] =	sbarrier.arrive $0xFFFF;
	s2 =	simm.s32 @!p0 $0x1C01  }
0x5f: {  	[timem:s3], [sflag:s2] =	dma.local @!p0 [hbm:s0], s1  }
0x60: {  	s0 =	simm.s32 @!p0 $0x1  }
0x61: {  	_ =	swait.ge @!p0 [sflag:s0], s1  }
0x62: {  	s1 =	ssub.s32 @!p0 $0x0, s1;
	[sflag:s0] =	ssyncset.done @!p0 $0x0  }
0x63: {  	[sflag:s0] =	ssyncadd.s32 @!p0 s1  }
0x64: {  	[bflag:$0x3] =	sbarrier.arrive $0xFFFF  }
0x65: {  	_ =	shalt  }

</sc_bundles>
